<compile_context>
chip_gen: v7x
topology: tpu7x:2x2x1
jax: 0.10.2.dev20260603
libtpu: 0.0.44.dev20260713+nightly
codegen_flags: <defaults>
</compile_context>

<pallas_src>
import functools

import jax
import jax.numpy as jnp
from jax import lax
from jax.experimental import pallas as pl
from jax.experimental.pallas import tpu as pltpu
from jax.experimental.pallas import tpu_sc as plsc

N = 10000
E = 320000
D = 64
NC = 2
NS = 16
NW = NC * NS
CH = 128
CPW = 80
CPA = 80
NB = 2
NG = CPA // NB
E_PAD = NW * CPW * CH
NACC = 10240
NPAD = NACC

_mesh = plsc.VectorSubcoreMesh(core_axis_name="c", subcore_axis_name="s")
_sc_params = pltpu.CompilerParams(use_tc_tiling_on_sc=False)



@functools.partial(
    pl.kernel,
    mesh=_mesh,
    compiler_params=_sc_params,
    out_type=(
        jax.ShapeDtypeStruct((NW * CPW, CH), jnp.int32),
        jax.ShapeDtypeStruct((NC, NACC, 16), jnp.float32),
    ),
    scratch_types=[
        pltpu.VMEM((CPW, CH), jnp.int32),
        pltpu.VMEM((CPW, CH), jnp.int32),
        pltpu.VMEM((CPW, CH), jnp.int32),
        pltpu.VMEM((CH, 16), jnp.float32),
        pltpu.VMEM_SHARED((NACC, 16), jnp.float32),
        pltpu.SemaphoreType.DMA,
    ],
)
def _sc_prep(src_h, dst_h, ones_h, z16_h, se_h, degp_h, src_v, dst_v, se_v,
             ones_v, acc, sem):
    c = lax.axis_index("c")
    s = lax.axis_index("s")
    wid = c * NS + s
    rows = NACC // NS
    pltpu.async_copy(ones_h, ones_v, sem)
    pltpu.async_copy(src_h.at[pl.ds(wid * CPW, CPW)], src_v, sem)
    pltpu.async_copy(dst_h.at[pl.ds(wid * CPW, CPW)], dst_v, sem)
    pltpu.async_copy(z16_h.at[pl.ds(s * rows, rows)], acc.at[pl.ds(s * rows, rows)], sem)
    pltpu.make_async_copy(ones_h, ones_v, sem).wait()
    pltpu.make_async_copy(src_h.at[pl.ds(wid * CPW, CPW)], src_v, sem).wait()
    pltpu.make_async_copy(dst_h.at[pl.ds(wid * CPW, CPW)], dst_v, sem).wait()
    pltpu.make_async_copy(z16_h.at[pl.ds(s * rows, rows)],
                          acc.at[pl.ds(s * rows, rows)], sem).wait()
    plsc.subcore_barrier()

    def chunk(j, carry):
        def vec(i, carry2):
            s16 = src_v[j, pl.ds(i * 16, 16)]
            d16 = dst_v[j, pl.ds(i * 16, 16)]
            se_v[j, pl.ds(i * 16, 16)] = jnp.where(s16 != d16, s16, N)
            return carry2

        lax.fori_loop(0, CH // 16, vec, 0)
        pltpu.async_copy(ones_v, acc.at[se_v.at[j]], sem, add=True)
        return carry

    lax.fori_loop(0, CPW, chunk, 0)

    def drain(j, carry):
        pltpu.make_async_copy(ones_v, acc.at[se_v.at[0]], sem).wait()
        return carry

    lax.fori_loop(0, CPW, drain, 0)
    pltpu.sync_copy(se_v, se_h.at[pl.ds(wid * CPW, CPW)])
    plsc.subcore_barrier()
    pltpu.sync_copy(acc.at[pl.ds(s * rows, rows)], degp_h.at[c, pl.ds(s * rows, rows)])




@functools.partial(
    pl.kernel,
    mesh=_mesh,
    compiler_params=_sc_params,
    out_type=jax.ShapeDtypeStruct((NC, NACC, D), jnp.float32),
    scratch_types=[
        pltpu.VMEM((CPA, CH), jnp.int32),
        pltpu.VMEM((CPA, CH), jnp.int32),
        pltpu.VMEM((NB, CH, D), jnp.float32),
        pltpu.VMEM_SHARED((NACC, D), jnp.float32),
        pltpu.VMEM_SHARED((NACC, D), jnp.float32),
    ]
    + [pltpu.SemaphoreType.DMA] * (2 * NB + 1),
)
def _sc_agg(tab_h, se_h, dst_h, z_h, aggp_h, sidx_v, didx_v, rows_v, acc,
            tab_v, *sems):
    gsem = sems[:NB]
    ssem = sems[NB : 2 * NB]
    stsem = sems[2 * NB]
    c = lax.axis_index("c")
    s = lax.axis_index("s")
    wid = c * NS + s
    rows = NACC // NS
    pltpu.async_copy(z_h, acc.at[pl.ds(s * rows, rows)], stsem)
    pltpu.async_copy(tab_h.at[pl.ds(s * rows, rows)],
                     tab_v.at[pl.ds(s * rows, rows)], stsem)
    pltpu.async_copy(se_h.at[pl.ds(wid * CPA, CPA)], sidx_v, stsem)
    pltpu.async_copy(dst_h.at[pl.ds(wid * CPA, CPA)], didx_v, stsem)
    pltpu.make_async_copy(z_h, acc.at[pl.ds(s * rows, rows)], stsem).wait()
    pltpu.make_async_copy(tab_h.at[pl.ds(s * rows, rows)],
                          tab_v.at[pl.ds(s * rows, rows)], stsem).wait()
    pltpu.make_async_copy(se_h.at[pl.ds(wid * CPA, CPA)], sidx_v, stsem).wait()
    pltpu.make_async_copy(dst_h.at[pl.ds(wid * CPA, CPA)], didx_v, stsem).wait()
    plsc.subcore_barrier()

    def wait_gather(b):
        pltpu.make_async_copy(tab_v.at[sidx_v.at[0]], rows_v.at[b], gsem[b]).wait()

    def wait_scatter(b):
        pltpu.make_async_copy(rows_v.at[b], acc.at[didx_v.at[0]], ssem[b]).wait()

    for b in range(NB):
        pltpu.async_copy(tab_v.at[sidx_v.at[b]], rows_v.at[b], gsem[b])

    def group(g, carry):
        for b in range(NB):
            j = g * NB + b
            wait_gather(b)
            pltpu.async_copy(rows_v.at[b], acc.at[didx_v.at[j]], ssem[b], add=True)
        for b in range(NB):
            j2 = (g + 1) * NB + b
            wait_scatter(b)
            pltpu.async_copy(tab_v.at[sidx_v.at[j2]], rows_v.at[b], gsem[b])
        return carry

    lax.fori_loop(0, NG - 1, group, 0)
    for b in range(NB):
        j = (NG - 1) * NB + b
        wait_gather(b)
        pltpu.async_copy(rows_v.at[b], acc.at[didx_v.at[j]], ssem[b], add=True)
    for b in range(NB):
        wait_scatter(b)
    plsc.subcore_barrier()
    pltpu.sync_copy(acc.at[pl.ds(s * rows, rows)], aggp_h.at[c, pl.ds(s * rows, rows)])




def _tc0_body(x, w10, w11, xw0_o, xw1_o):
    xw0_o[...] = jnp.dot(x[...], w10[...], preferred_element_type=jnp.float32)
    xw1_o[...] = jnp.dot(x[...], w11[...], preferred_element_type=jnp.float32)


_tc0 = pl.pallas_call(
    _tc0_body,
    out_shape=(
        jax.ShapeDtypeStruct((N, D), jnp.float32),
        jax.ShapeDtypeStruct((N, D), jnp.float32),
    ),
)


def _tc2_body(hpre, w20, w21, hw0_o, hw1_o):
    h = jnp.maximum(hpre[...], 0.0)
    hw0_o[...] = jnp.dot(h, w20[...], preferred_element_type=jnp.float32)
    hw1_o[...] = jnp.dot(h, w21[...], preferred_element_type=jnp.float32)


_tc2 = pl.pallas_call(
    _tc2_body,
    out_shape=(
        jax.ShapeDtypeStruct((N, D), jnp.float32),
        jax.ShapeDtypeStruct((N, D), jnp.float32),
    ),
)


def _tc3_body(opre, out_o):
    o = opre[...]
    m = jnp.max(o, axis=1, keepdims=True)
    lse = jnp.log(jnp.sum(jnp.exp(o - m), axis=1, keepdims=True)) + m
    out_o[...] = o - lse


_tc3 = pl.pallas_call(
    _tc3_body,
    out_shape=jax.ShapeDtypeStruct((N, D), jnp.float32),
)


def _pad_rows(ys):
    return jnp.pad(ys, ((0, NACC - N), (0, 0)))


def _psum(aggp):
    return aggp[0, :N, :] + aggp[1, :N, :]


def kernel(x, edge_index, W1_0, W1_1, b1, W2_0, W2_1, b2):
    src = edge_index[0].astype(jnp.int32)
    dst = edge_index[1].astype(jnp.int32)
    pad = E_PAD - E
    srcp = jnp.concatenate([src, jnp.zeros((pad,), jnp.int32)]).reshape(-1, CH)
    dstp = jnp.concatenate([dst, jnp.zeros((pad,), jnp.int32)]).reshape(-1, CH)
    ones_rows = jnp.ones((CH, 16), jnp.float32)
    z16 = jnp.zeros((NACC, 16), jnp.float32)
    z64 = jnp.zeros((NACC // NS, D), jnp.float32)

    se, degp = _sc_prep(srcp, dstp, ones_rows, z16)
    xw0, xw1 = _tc0(x, W1_0, W1_1)
    deg = degp[0, :N, 0:1] + degp[1, :N, 0:1]
    dis = jnp.where(deg > 0, lax.rsqrt(jnp.maximum(deg, 1e-12)), 0.0)
    agg1 = _sc_agg(_pad_rows(dis * xw1), se, dstp, z64)
    hpre = xw0 - dis * _psum(agg1) + b1.reshape(1, D)
    hw0, hw1 = _tc2(hpre, W2_0, W2_1)
    agg2 = _sc_agg(_pad_rows(dis * hw1), se, dstp, z64)
    return _tc3(hw0 - dis * _psum(agg2) + b2.reshape(1, D))

# --- scband reference (transcript-rebuilt; emitter-appended) ---
"""Pipeline reference for scband-cheb-net-87222195847851 (READ-ONLY COPY).

The authoritative reference and input builder live on the scoring server;
editing this copy changes nothing except your own understanding.
"""

import jax, jax.numpy as jnp
import numpy as np

N_NODES = 10000
N_EDGES = 320000
D_IN = 128
D_HID = 64
D_OUT = 64


def setup_inputs(seed: int = 0) -> dict:
    key = jax.random.key(seed)
    ks = jax.random.split(key, 9)
    x = jax.random.normal(ks[0], (N_NODES, D_IN), dtype=jnp.float32)
    edge_index = jax.random.randint(ks[1], (2, N_EDGES), 0, N_NODES, dtype=jnp.int64)
    # ChebConv (K=2) has K linear layers (no bias) + one bias per conv
    s1 = 1.0 / np.sqrt(D_IN)
    s2 = 1.0 / np.sqrt(D_HID)
    W1_0 = jax.random.uniform(ks[2], (D_IN, D_HID), jnp.float32, -s1, s1)
    W1_1 = jax.random.uniform(ks[3], (D_IN, D_HID), jnp.float32, -s1, s1)
    b1 = jax.random.uniform(ks[4], (D_HID,), jnp.float32, -s1, s1)
    W2_0 = jax.random.uniform(ks[5], (D_HID, D_OUT), jnp.float32, -s2, s2)
    W2_1 = jax.random.uniform(ks[6], (D_HID, D_OUT), jnp.float32, -s2, s2)
    b2 = jax.random.uniform(ks[7], (D_HID,), jnp.float32, -s2, s2)
    return {"x": x, "edge_index": edge_index, "W1_0": W1_0, "W1_1": W1_1,
            "b1": b1, "W2_0": W2_0, "W2_1": W2_1, "b2": b2}


def _cheb_norm(edge_index, num_nodes):
    # PyG ChebConv.__norm__ with normalization='sym', lambda_max=2.0 (default):
    # remove self loops, L = I - D^{-1/2} A D^{-1/2}; scale by 2/lambda_max = 1;
    # self-loop (diag) weights become 1 - 1 = 0, so only off-diagonal terms remain.
    src, dst = edge_index[0], edge_index[1]
    w = (src != dst).astype(jnp.float32)  # removed self loops -> weight 0
    deg = jax.ops.segment_sum(w, src, num_segments=num_nodes)
    deg_inv_sqrt = jnp.where(deg > 0, jax.lax.rsqrt(jnp.maximum(deg, 1e-12)), 0.0)
    norm = -deg_inv_sqrt[src] * w * deg_inv_sqrt[dst]
    return norm


def _cheb_conv(x, edge_index, norm, W0, W1, b, num_nodes):
    # K=2 Chebyshev conv: out = x @ W0 + (L_hat x) @ W1 + b
    src, dst = edge_index[0], edge_index[1]
    Tx1 = jax.ops.segment_sum(norm[:, None] * x[src], dst, num_segments=num_nodes)
    return x @ W0 + Tx1 @ W1 + b


def reference(x, edge_index, W1_0, W1_1, b1, W2_0, W2_1, b2):
    norm = _cheb_norm(edge_index, N_NODES)
    h = _cheb_conv(x, edge_index, norm, W1_0, W1_1, b1, N_NODES)
    h = jax.nn.relu(h)
    # dropout p=0.0 -> identity
    out = _cheb_conv(h, edge_index, norm, W2_0, W2_1, b2, N_NODES)
    return jax.nn.log_softmax(out, axis=1)

if __name__ == "__main__":
    import jax
    _d = setup_inputs()
    print(jax.jit(kernel)(*tuple(_d.values())))

</pallas_src>

<mosaic_0001>
#map = affine_map<(d0, d1) -> (0, 0)>
#map1 = affine_map<(d0, d1) -> (0, 0, 0)>
module attributes {stable_mosaic.version = 14 : i64} {
  func.func @_sc_prep(%arg0: i32, %arg1: i32, %arg2: memref<2560x128xi32, #tpu.memory_space<hbm>>, %arg3: memref<2560x128xi32, #tpu.memory_space<hbm>>, %arg4: memref<128x16xf32, #tpu.memory_space<hbm>>, %arg5: memref<10240x16xf32, #tpu.memory_space<hbm>>, %arg6: memref<2560x128xi32, #tpu.memory_space<hbm>>, %arg7: memref<2x10240x16xf32, #tpu.memory_space<hbm>>, %arg8: memref<80x128xi32, #tpu.memory_space<vmem>>, %arg9: memref<80x128xi32, #tpu.memory_space<vmem>>, %arg10: memref<80x128xi32, #tpu.memory_space<vmem>>, %arg11: memref<128x16xf32, #tpu.memory_space<vmem>>, %arg12: memref<10240x16xf32, #tpu.memory_space<vmem_shared>>, %arg13: memref<!tpu.dma_semaphore, #tpu.memory_space<semaphore_mem>>) attributes {dimension_semantics = [#tpu.dimension_semantics<core_parallel>, #tpu.dimension_semantics<subcore_parallel>], iteration_bounds = array<i64: 2, 16>, scalar_prefetch = 0 : i64, scratch_operands = 6 : i64, tpu.core_type = #tpu.core_type<sc_vector_subcore>, window_params = [{transform_indices = #map}, {transform_indices = #map}, {transform_indices = #map}, {transform_indices = #map}, {transform_indices = #map}, {transform_indices = #map1}]} {
    %mul3A = arith.constant 16 : i32
    %mul3A_0 = arith.muli %arg0, %mul3A : i32
    %add3A = arith.addi %mul3A_0, %arg1 : i32
    tpu.enqueue_dma source(%arg4 : memref<128x16xf32, #tpu.memory_space<hbm>>) target(%arg11 : memref<128x16xf32, #tpu.memory_space<vmem>>) target_semaphore(%arg13 : memref<!tpu.dma_semaphore, #tpu.memory_space<semaphore_mem>>)
    %mul3A_1 = arith.constant 80 : i32
    %mul3A_2 = arith.muli %add3A, %mul3A_1 : i32
    %dma_start3A = arith.constant 0 : i32
    %dma_start3A_3 = tpu.memref_slice %arg2[%mul3A_2, %dma_start3A] : memref<2560x128xi32, #tpu.memory_space<hbm>> -> memref<80x128xi32, #tpu.memory_space<hbm>>
    %dma_start3A_4 = arith.constant 0 : i32
    %dma_start3A_5 = tpu.memref_slice %arg2[%mul3A_2, %dma_start3A_4] : memref<2560x128xi32, #tpu.memory_space<hbm>> -> memref<80x128xi32, #tpu.memory_space<hbm>>
    tpu.enqueue_dma source(%dma_start3A_5 : memref<80x128xi32, #tpu.memory_space<hbm>>) target(%arg8 : memref<80x128xi32, #tpu.memory_space<vmem>>) target_semaphore(%arg13 : memref<!tpu.dma_semaphore, #tpu.memory_space<semaphore_mem>>)
    %mul3A_6 = arith.constant 80 : i32
    %mul3A_7 = arith.muli %add3A, %mul3A_6 : i32
    %dma_start3A_8 = arith.constant 0 : i32
    %dma_start3A_9 = tpu.memref_slice %arg3[%mul3A_7, %dma_start3A_8] : memref<2560x128xi32, #tpu.memory_space<hbm>> -> memref<80x128xi32, #tpu.memory_space<hbm>>
    %dma_start3A_10 = arith.constant 0 : i32
    %dma_start3A_11 = tpu.memref_slice %arg3[%mul3A_7, %dma_start3A_10] : memref<2560x128xi32, #tpu.memory_space<hbm>> -> memref<80x128xi32, #tpu.memory_space<hbm>>
    tpu.enqueue_dma source(%dma_start3A_11 : memref<80x128xi32, #tpu.memory_space<hbm>>) target(%arg9 : memref<80x128xi32, #tpu.memory_space<vmem>>) target_semaphore(%arg13 : memref<!tpu.dma_semaphore, #tpu.memory_space<semaphore_mem>>)
    %mul3A_12 = arith.constant 640 : i32
    %mul3A_13 = arith.muli %arg1, %mul3A_12 : i32
    %mul3A_14 = arith.constant 640 : i32
    %mul3A_15 = arith.muli %arg1, %mul3A_14 : i32
    %dma_start3A_16 = arith.constant 0 : i32
    %dma_start3A_17 = tpu.memref_slice %arg12[%mul3A_15, %dma_start3A_16] : memref<10240x16xf32, #tpu.memory_space<vmem_shared>> -> memref<640x16xf32, #tpu.memory_space<vmem_shared>>
    %dma_start3A_18 = arith.constant 0 : i32
    %dma_start3A_19 = tpu.memref_slice %arg5[%mul3A_13, %dma_start3A_18] : memref<10240x16xf32, #tpu.memory_space<hbm>> -> memref<640x16xf32, #tpu.memory_space<hbm>>
    tpu.enqueue_dma source(%dma_start3A_19 : memref<640x16xf32, #tpu.memory_space<hbm>>) target(%dma_start3A_17 : memref<640x16xf32, #tpu.memory_space<vmem_shared>>) target_semaphore(%arg13 : memref<!tpu.dma_semaphore, #tpu.memory_space<semaphore_mem>>)
    tpu.wait_dma2 semaphore(%arg13 : memref<!tpu.dma_semaphore, #tpu.memory_space<semaphore_mem>>) src(%arg4 : memref<128x16xf32, #tpu.memory_space<hbm>>) dst(%arg11 : memref<128x16xf32, #tpu.memory_space<vmem>>)
    %mul3A_20 = arith.constant 80 : i32
    %mul3A_21 = arith.muli %add3A, %mul3A_20 : i32
    %dma_wait3A = arith.constant 0 : i32
    %dma_wait3A_22 = tpu.memref_slice %arg2[%mul3A_21, %dma_wait3A] : memref<2560x128xi32, #tpu.memory_space<hbm>> -> memref<80x128xi32, #tpu.memory_space<hbm>>
    %dma_wait3A_23 = arith.constant 0 : i32
    %dma_wait3A_24 = tpu.memref_slice %arg2[%mul3A_21, %dma_wait3A_23] : memref<2560x128xi32, #tpu.memory_space<hbm>> -> memref<80x128xi32, #tpu.memory_space<hbm>>
    tpu.wait_dma2 semaphore(%arg13 : memref<!tpu.dma_semaphore, #tpu.memory_space<semaphore_mem>>) src(%dma_wait3A_24 : memref<80x128xi32, #tpu.memory_space<hbm>>) dst(%arg8 : memref<80x128xi32, #tpu.memory_space<vmem>>)
    %mul3A_25 = arith.constant 80 : i32
    %mul3A_26 = arith.muli %add3A, %mul3A_25 : i32
    %dma_wait3A_27 = arith.constant 0 : i32
    %dma_wait3A_28 = tpu.memref_slice %arg3[%mul3A_26, %dma_wait3A_27] : memref<2560x128xi32, #tpu.memory_space<hbm>> -> memref<80x128xi32, #tpu.memory_space<hbm>>
    %dma_wait3A_29 = arith.constant 0 : i32
    %dma_wait3A_30 = tpu.memref_slice %arg3[%mul3A_26, %dma_wait3A_29] : memref<2560x128xi32, #tpu.memory_space<hbm>> -> memref<80x128xi32, #tpu.memory_space<hbm>>
    tpu.wait_dma2 semaphore(%arg13 : memref<!tpu.dma_semaphore, #tpu.memory_space<semaphore_mem>>) src(%dma_wait3A_30 : memref<80x128xi32, #tpu.memory_space<hbm>>) dst(%arg9 : memref<80x128xi32, #tpu.memory_space<vmem>>)
    %mul3A_31 = arith.constant 640 : i32
    %mul3A_32 = arith.muli %arg1, %mul3A_31 : i32
    %mul3A_33 = arith.constant 640 : i32
    %mul3A_34 = arith.muli %arg1, %mul3A_33 : i32
    %dma_wait3A_35 = arith.constant 0 : i32
    %dma_wait3A_36 = tpu.memref_slice %arg12[%mul3A_34, %dma_wait3A_35] : memref<10240x16xf32, #tpu.memory_space<vmem_shared>> -> memref<640x16xf32, #tpu.memory_space<vmem_shared>>
    %dma_wait3A_37 = arith.constant 0 : i32
    %dma_wait3A_38 = tpu.memref_slice %arg5[%mul3A_32, %dma_wait3A_37] : memref<10240x16xf32, #tpu.memory_space<hbm>> -> memref<640x16xf32, #tpu.memory_space<hbm>>
    tpu.wait_dma2 semaphore(%arg13 : memref<!tpu.dma_semaphore, #tpu.memory_space<semaphore_mem>>) src(%dma_wait3A_38 : memref<640x16xf32, #tpu.memory_space<hbm>>) dst(%dma_wait3A_36 : memref<640x16xf32, #tpu.memory_space<vmem_shared>>)
    %barrier3A = arith.constant 0 : index
    tpu.barrier barrier_id(%barrier3A)
    %scan3A = arith.constant 0 : i32
    %scan3A_39 = arith.constant 0 : i32
    %scan3A_40 = arith.constant 80 : i32
    %scan3A_41 = arith.addi %scan3A_39, %scan3A_40 : i32
    %scan3A_42 = arith.constant 1 : i32
    scf.for %scan3A_57 = %scan3A_39 to %scan3A_41 step %scan3A_42  : i32 {
      %scan3A_58 = arith.constant 0 : i32
      %scan3A_59 = arith.constant 0 : i32
      %scan3A_60 = arith.constant 8 : i32
      %scan3A_61 = arith.addi %scan3A_59, %scan3A_60 : i32
      %scan3A_62 = arith.constant 1 : i32
      scf.for %scan3A_70 = %scan3A_59 to %scan3A_61 step %scan3A_62  : i32 {
        %mul3A_71 = arith.constant 16 : i32
        %mul3A_72 = arith.muli %scan3A_70, %mul3A_71 : i32
        %get3A = arith.index_cast %scan3A_57 : i32 to index
        %get3A_73 = arith.index_cast %mul3A_72 : i32 to index
        %get3A_74 = tpu.vector_load %arg8[%get3A, %get3A_73] {strides = array<i32>} : memref<80x128xi32, #tpu.memory_space<vmem>>, vector<1x16xi32>,
        %get3A_75 = vector.shape_cast %get3A_74 : vector<1x16xi32> to vector<16xi32>
        %mul3A_76 = arith.constant 16 : i32
        %mul3A_77 = arith.muli %scan3A_70, %mul3A_76 : i32
        %get3A_78 = arith.index_cast %scan3A_57 : i32 to index
        %get3A_79 = arith.index_cast %mul3A_77 : i32 to index
        %get3A_80 = tpu.vector_load %arg9[%get3A_78, %get3A_79] {strides = array<i32>} : memref<80x128xi32, #tpu.memory_space<vmem>>, vector<1x16xi32>,
        %get3A_81 = vector.shape_cast %get3A_80 : vector<1x16xi32> to vector<16xi32>
        %ne3A = arith.cmpi ne, %get3A_75, %get3A_81 : vector<16xi32>
        %jit3A = arith.constant 10000 : i32
        %broadcast_in_dim3A = vector.broadcast %jit3A : i32 to vector<16xi32>
        %select_n3A = arith.select %ne3A, %get3A_75, %broadcast_in_dim3A : vector<16xi1>, vector<16xi32>
        %mul3A_82 = arith.constant 16 : i32
        %mul3A_83 = arith.muli %scan3A_70, %mul3A_82 : i32
        %swap3A = arith.index_cast %scan3A_57 : i32 to index
        %swap3A_84 = arith.index_cast %mul3A_83 : i32 to index
        %swap3A_85 = tpu.vector_load %arg10[%swap3A, %swap3A_84] {strides = array<i32>} : memref<80x128xi32, #tpu.memory_space<vmem>>, vector<1x16xi32>,
        %swap3A_86 = vector.shape_cast %swap3A_85 : vector<1x16xi32> to vector<16xi32>
        %swap3A_87 = vector.shape_cast %select_n3A : vector<16xi32> to vector<1x16xi32>
        tpu.vector_store %arg10[%swap3A, %swap3A_84], %swap3A_87 {strides = array<i32>} : memref<80x128xi32, #tpu.memory_space<vmem>>, vector<1x16xi32>,
      }
      %scan3A_63 = arith.constant 8 : i32
      %dma_start3A_64 = arith.constant 0 : i32
      %dma_start3A_65 = tpu.memref_slice %arg10[%scan3A_57, %dma_start3A_64] : memref<80x128xi32, #tpu.memory_space<vmem>> -> memref<1x128xi32, #tpu.memory_space<vmem>>
      %dma_start3A_66 = tpu.memref_squeeze %dma_start3A_65 : memref<1x128xi32, #tpu.memory_space<vmem>> -> memref<128xi32, #tpu.memory_space<vmem>>
      %dma_start3A_67 = arith.constant 0 : i32
      %dma_start3A_68 = arith.constant 0 : i32
      %dma_start3A_69 = tpu.memref_slice %arg12[%dma_start3A_67, %dma_start3A_68] : memref<10240x16xf32, #tpu.memory_space<vmem_shared>> -> memref<10240x16xf32, #tpu.memory_space<vmem_shared>>
      tpu.enqueue_indirect_dma source(%arg11 : memref<128x16xf32, #tpu.memory_space<vmem>>) target(%dma_start3A_69 : memref<10240x16xf32, #tpu.memory_space<vmem_shared>>) offsets(%dma_start3A_66 : memref<128xi32, #tpu.memory_space<vmem>>) semaphore(%arg13 : memref<!tpu.dma_semaphore, #tpu.memory_space<semaphore_mem>>) {add = true}
    }
    %scan3A_43 = arith.constant 80 : i32
    %scan3A_44 = arith.constant 0 : i32
    %scan3A_45 = arith.constant 0 : i32
    %scan3A_46 = arith.constant 80 : i32
    %scan3A_47 = arith.addi %scan3A_45, %scan3A_46 : i32
    %scan3A_48 = arith.constant 1 : i32
    scf.for %scan3A_57 = %scan3A_45 to %scan3A_47 step %scan3A_48  : i32 {
      %dma_wait3A_58 = arith.constant 0 : i32
      %dma_wait3A_59 = arith.constant 0 : i32
      %dma_wait3A_60 = tpu.memref_slice %arg10[%dma_wait3A_58, %dma_wait3A_59] : memref<80x128xi32, #tpu.memory_space<vmem>> -> memref<1x128xi32, #tpu.memory_space<vmem>>
      %dma_wait3A_61 = tpu.memref_squeeze %dma_wait3A_60 : memref<1x128xi32, #tpu.memory_space<vmem>> -> memref<128xi32, #tpu.memory_space<vmem>>
      %dma_wait3A_62 = arith.constant 0 : i32
      %dma_wait3A_63 = arith.constant 0 : i32
      %dma_wait3A_64 = tpu.memref_slice %arg12[%dma_wait3A_62, %dma_wait3A_63] : memref<10240x16xf32, #tpu.memory_space<vmem_shared>> -> memref<10240x16xf32, #tpu.memory_space<vmem_shared>>
      tpu.wait_indirect_dma semaphore(%arg13 : memref<!tpu.dma_semaphore, #tpu.memory_space<semaphore_mem>>) src(%arg11 : memref<128x16xf32, #tpu.memory_space<vmem>>) dst(%dma_wait3A_64 : memref<10240x16xf32, #tpu.memory_space<vmem_shared>>)
    }
    %scan3A_49 = arith.constant 80 : i32
    %mul3A_50 = arith.constant 80 : i32
    %mul3A_51 = arith.muli %add3A, %mul3A_50 : i32
    "tpu.region"() ({
      %run_scoped3A = tpu.sem_alloc : memref<!tpu.dma_semaphore, #tpu.memory_space<semaphore_mem>>
      %dma_start3A_57 = arith.constant 0 : i32
      %dma_start3A_58 = tpu.memref_slice %arg6[%mul3A_51, %dma_start3A_57] : memref<2560x128xi32, #tpu.memory_space<hbm>> -> memref<80x128xi32, #tpu.memory_space<hbm>>
      %dma_start3A_59 = arith.constant 0 : i32
      %dma_start3A_60 = tpu.memref_slice %arg6[%mul3A_51, %dma_start3A_59] : memref<2560x128xi32, #tpu.memory_space<hbm>> -> memref<80x128xi32, #tpu.memory_space<hbm>>
      tpu.enqueue_dma source(%arg10 : memref<80x128xi32, #tpu.memory_space<vmem>>) target(%dma_start3A_60 : memref<80x128xi32, #tpu.memory_space<hbm>>) target_semaphore(%run_scoped3A : memref<!tpu.dma_semaphore, #tpu.memory_space<semaphore_mem>>)
      %dma_wait3A_61 = arith.constant 0 : i32
      %dma_wait3A_62 = tpu.memref_slice %arg6[%mul3A_51, %dma_wait3A_61] : memref<2560x128xi32, #tpu.memory_space<hbm>> -> memref<80x128xi32, #tpu.memory_space<hbm>>
      %dma_wait3A_63 = arith.constant 0 : i32
      %dma_wait3A_64 = tpu.memref_slice %arg6[%mul3A_51, %dma_wait3A_63] : memref<2560x128xi32, #tpu.memory_space<hbm>> -> memref<80x128xi32, #tpu.memory_space<hbm>>
      tpu.wait_dma2 semaphore(%run_scoped3A : memref<!tpu.dma_semaphore, #tpu.memory_space<semaphore_mem>>) src(%arg10 : memref<80x128xi32, #tpu.memory_space<vmem>>) dst(%dma_wait3A_64 : memref<80x128xi32, #tpu.memory_space<hbm>>)
      tpu.yield
    }) : () -> ()
    %barrier3A_52 = arith.constant 0 : index
    tpu.barrier barrier_id(%barrier3A_52)
    %mul3A_53 = arith.constant 640 : i32
    %mul3A_54 = arith.muli %arg1, %mul3A_53 : i32
    %mul3A_55 = arith.constant 640 : i32
    %mul3A_56 = arith.muli %arg1, %mul3A_55 : i32
    "tpu.region"() ({
      %run_scoped3A = tpu.sem_alloc : memref<!tpu.dma_semaphore, #tpu.memory_space<semaphore_mem>>
      %dma_start3A_57 = arith.constant 0 : i32
      %dma_start3A_58 = tpu.memref_slice %arg7[%arg0, %mul3A_56, %dma_start3A_57] : memref<2x10240x16xf32, #tpu.memory_space<hbm>> -> memref<1x640x16xf32, #tpu.memory_space<hbm>>
      %dma_start3A_59 = tpu.memref_squeeze %dma_start3A_58 : memref<1x640x16xf32, #tpu.memory_space<hbm>> -> memref<640x16xf32, #tpu.memory_space<hbm>>
      %dma_start3A_60 = arith.constant 0 : i32
      %dma_start3A_61 = tpu.memref_slice %arg12[%mul3A_54, %dma_start3A_60] : memref<10240x16xf32, #tpu.memory_space<vmem_shared>> -> memref<640x16xf32, #tpu.memory_space<vmem_shared>>
      tpu.enqueue_dma source(%dma_start3A_61 : memref<640x16xf32, #tpu.memory_space<vmem_shared>>) target(%dma_start3A_59 : memref<640x16xf32, #tpu.memory_space<hbm>>) target_semaphore(%run_scoped3A : memref<!tpu.dma_semaphore, #tpu.memory_space<semaphore_mem>>)
      %dma_wait3A_62 = arith.constant 0 : i32
      %dma_wait3A_63 = tpu.memref_slice %arg7[%arg0, %mul3A_56, %dma_wait3A_62] : memref<2x10240x16xf32, #tpu.memory_space<hbm>> -> memref<1x640x16xf32, #tpu.memory_space<hbm>>
      %dma_wait3A_64 = tpu.memref_squeeze %dma_wait3A_63 : memref<1x640x16xf32, #tpu.memory_space<hbm>> -> memref<640x16xf32, #tpu.memory_space<hbm>>
      %dma_wait3A_65 = arith.constant 0 : i32
      %dma_wait3A_66 = tpu.memref_slice %arg12[%mul3A_54, %dma_wait3A_65] : memref<10240x16xf32, #tpu.memory_space<vmem_shared>> -> memref<640x16xf32, #tpu.memory_space<vmem_shared>>
      tpu.wait_dma2 semaphore(%run_scoped3A : memref<!tpu.dma_semaphore, #tpu.memory_space<semaphore_mem>>) src(%dma_wait3A_66 : memref<640x16xf32, #tpu.memory_space<vmem_shared>>) dst(%dma_wait3A_64 : memref<640x16xf32, #tpu.memory_space<hbm>>)
      tpu.yield
    }) : () -> ()
    return
  }
}

#map = affine_map<(d0, d1) -> (0, 0)>
#map1 = affine_map<(d0, d1) -> (0, 0, 0)>
module attributes {stable_mosaic.version = 14 : i64} {
  func.func @_sc_agg(%arg0: i32, %arg1: i32, %arg2: memref<10240x64xf32, #tpu.memory_space<hbm>>, %arg3: memref<2560x128xi32, #tpu.memory_space<hbm>>, %arg4: memref<2560x128xi32, #tpu.memory_space<hbm>>, %arg5: memref<640x64xf32, #tpu.memory_space<hbm>>, %arg6: memref<2x10240x64xf32, #tpu.memory_space<hbm>>, %arg7: memref<80x128xi32, #tpu.memory_space<vmem>>, %arg8: memref<80x128xi32, #tpu.memory_space<vmem>>, %arg9: memref<2x128x64xf32, #tpu.memory_space<vmem>>, %arg10: memref<10240x64xf32, #tpu.memory_space<vmem_shared>>, %arg11: memref<10240x64xf32, #tpu.memory_space<vmem_shared>>, %arg12: memref<!tpu.dma_semaphore, #tpu.memory_space<semaphore_mem>>, %arg13: memref<!tpu.dma_semaphore, #tpu.memory_space<semaphore_mem>>, %arg14: memref<!tpu.dma_semaphore, #tpu.memory_space<semaphore_mem>>, %arg15: memref<!tpu.dma_semaphore, #tpu.memory_space<semaphore_mem>>, %arg16: memref<!tpu.dma_semaphore, #tpu.memory_space<semaphore_mem>>) attributes {dimension_semantics = [#tpu.dimension_semantics<core_parallel>, #tpu.dimension_semantics<subcore_parallel>], iteration_bounds = array<i64: 2, 16>, scalar_prefetch = 0 : i64, scratch_operands = 10 : i64, tpu.core_type = #tpu.core_type<sc_vector_subcore>, window_params = [{transform_indices = #map}, {transform_indices = #map}, {transform_indices = #map}, {transform_indices = #map}, {transform_indices = #map1}]} {
    %mul3A = arith.constant 16 : i32
    %mul3A_0 = arith.muli %arg0, %mul3A : i32
    %add3A = arith.addi %mul3A_0, %arg1 : i32
    %mul3A_1 = arith.constant 640 : i32
    %mul3A_2 = arith.muli %arg1, %mul3A_1 : i32
    %dma_start3A = arith.constant 0 : i32
    %dma_start3A_3 = tpu.memref_slice %arg10[%mul3A_2, %dma_start3A] : memref<10240x64xf32, #tpu.memory_space<vmem_shared>> -> memref<640x64xf32, #tpu.memory_space<vmem_shared>>
    tpu.enqueue_dma source(%arg5 : memref<640x64xf32, #tpu.memory_space<hbm>>) target(%dma_start3A_3 : memref<640x64xf32, #tpu.memory_space<vmem_shared>>) target_semaphore(%arg16 : memref<!tpu.dma_semaphore, #tpu.memory_space<semaphore_mem>>)
    %mul3A_4 = arith.constant 640 : i32
    %mul3A_5 = arith.muli %arg1, %mul3A_4 : i32
    %mul3A_6 = arith.constant 640 : i32
    %mul3A_7 = arith.muli %arg1, %mul3A_6 : i32
    %dma_start3A_8 = arith.constant 0 : i32
    %dma_start3A_9 = tpu.memref_slice %arg11[%mul3A_7, %dma_start3A_8] : memref<10240x64xf32, #tpu.memory_space<vmem_shared>> -> memref<640x64xf32, #tpu.memory_space<vmem_shared>>
    %dma_start3A_10 = arith.constant 0 : i32
    %dma_start3A_11 = tpu.memref_slice %arg2[%mul3A_5, %dma_start3A_10] : memref<10240x64xf32, #tpu.memory_space<hbm>> -> memref<640x64xf32, #tpu.memory_space<hbm>>
    tpu.enqueue_dma source(%dma_start3A_11 : memref<640x64xf32, #tpu.memory_space<hbm>>) target(%dma_start3A_9 : memref<640x64xf32, #tpu.memory_space<vmem_shared>>) target_semaphore(%arg16 : memref<!tpu.dma_semaphore, #tpu.memory_space<semaphore_mem>>)
    %mul3A_12 = arith.constant 80 : i32
    %mul3A_13 = arith.muli %add3A, %mul3A_12 : i32
    %dma_start3A_14 = arith.constant 0 : i32
    %dma_start3A_15 = tpu.memref_slice %arg3[%mul3A_13, %dma_start3A_14] : memref<2560x128xi32, #tpu.memory_space<hbm>> -> memref<80x128xi32, #tpu.memory_space<hbm>>
    %dma_start3A_16 = arith.constant 0 : i32
    %dma_start3A_17 = tpu.memref_slice %arg3[%mul3A_13, %dma_start3A_16] : memref<2560x128xi32, #tpu.memory_space<hbm>> -> memref<80x128xi32, #tpu.memory_space<hbm>>
    tpu.enqueue_dma source(%dma_start3A_17 : memref<80x128xi32, #tpu.memory_space<hbm>>) target(%arg7 : memref<80x128xi32, #tpu.memory_space<vmem>>) target_semaphore(%arg16 : memref<!tpu.dma_semaphore, #tpu.memory_space<semaphore_mem>>)
    %mul3A_18 = arith.constant 80 : i32
    %mul3A_19 = arith.muli %add3A, %mul3A_18 : i32
    %dma_start3A_20 = arith.constant 0 : i32
    %dma_start3A_21 = tpu.memref_slice %arg4[%mul3A_19, %dma_start3A_20] : memref<2560x128xi32, #tpu.memory_space<hbm>> -> memref<80x128xi32, #tpu.memory_space<hbm>>
    %dma_start3A_22 = arith.constant 0 : i32
    %dma_start3A_23 = tpu.memref_slice %arg4[%mul3A_19, %dma_start3A_22] : memref<2560x128xi32, #tpu.memory_space<hbm>> -> memref<80x128xi32, #tpu.memory_space<hbm>>
    tpu.enqueue_dma source(%dma_start3A_23 : memref<80x128xi32, #tpu.memory_space<hbm>>) target(%arg8 : memref<80x128xi32, #tpu.memory_space<vmem>>) target_semaphore(%arg16 : memref<!tpu.dma_semaphore, #tpu.memory_space<semaphore_mem>>)
    %mul3A_24 = arith.constant 640 : i32
    %mul3A_25 = arith.muli %arg1, %mul3A_24 : i32
    %dma_wait3A = arith.constant 0 : i32
    %dma_wait3A_26 = tpu.memref_slice %arg10[%mul3A_25, %dma_wait3A] : memref<10240x64xf32, #tpu.memory_space<vmem_shared>> -> memref<640x64xf32, #tpu.memory_space<vmem_shared>>
    tpu.wait_dma2 semaphore(%arg16 : memref<!tpu.dma_semaphore, #tpu.memory_space<semaphore_mem>>) src(%arg5 : memref<640x64xf32, #tpu.memory_space<hbm>>) dst(%dma_wait3A_26 : memref<640x64xf32, #tpu.memory_space<vmem_shared>>)
    %mul3A_27 = arith.constant 640 : i32
    %mul3A_28 = arith.muli %arg1, %mul3A_27 : i32
    %mul3A_29 = arith.constant 640 : i32
    %mul3A_30 = arith.muli %arg1, %mul3A_29 : i32
    %dma_wait3A_31 = arith.constant 0 : i32
    %dma_wait3A_32 = tpu.memref_slice %arg11[%mul3A_30, %dma_wait3A_31] : memref<10240x64xf32, #tpu.memory_space<vmem_shared>> -> memref<640x64xf32, #tpu.memory_space<vmem_shared>>
    %dma_wait3A_33 = arith.constant 0 : i32
    %dma_wait3A_34 = tpu.memref_slice %arg2[%mul3A_28, %dma_wait3A_33] : memref<10240x64xf32, #tpu.memory_space<hbm>> -> memref<640x64xf32, #tpu.memory_space<hbm>>
    tpu.wait_dma2 semaphore(%arg16 : memref<!tpu.dma_semaphore, #tpu.memory_space<semaphore_mem>>) src(%dma_wait3A_34 : memref<640x64xf32, #tpu.memory_space<hbm>>) dst(%dma_wait3A_32 : memref<640x64xf32, #tpu.memory_space<vmem_shared>>)
    %mul3A_35 = arith.constant 80 : i32
    %mul3A_36 = arith.muli %add3A, %mul3A_35 : i32
    %dma_wait3A_37 = arith.constant 0 : i32
    %dma_wait3A_38 = tpu.memref_slice %arg3[%mul3A_36, %dma_wait3A_37] : memref<2560x128xi32, #tpu.memory_space<hbm>> -> memref<80x128xi32, #tpu.memory_space<hbm>>
    %dma_wait3A_39 = arith.constant 0 : i32
    %dma_wait3A_40 = tpu.memref_slice %arg3[%mul3A_36, %dma_wait3A_39] : memref<2560x128xi32, #tpu.memory_space<hbm>> -> memref<80x128xi32, #tpu.memory_space<hbm>>
    tpu.wait_dma2 semaphore(%arg16 : memref<!tpu.dma_semaphore, #tpu.memory_space<semaphore_mem>>) src(%dma_wait3A_40 : memref<80x128xi32, #tpu.memory_space<hbm>>) dst(%arg7 : memref<80x128xi32, #tpu.memory_space<vmem>>)
    %mul3A_41 = arith.constant 80 : i32
    %mul3A_42 = arith.muli %add3A, %mul3A_41 : i32
    %dma_wait3A_43 = arith.constant 0 : i32
    %dma_wait3A_44 = tpu.memref_slice %arg4[%mul3A_42, %dma_wait3A_43] : memref<2560x128xi32, #tpu.memory_space<hbm>> -> memref<80x128xi32, #tpu.memory_space<hbm>>
    %dma_wait3A_45 = arith.constant 0 : i32
    %dma_wait3A_46 = tpu.memref_slice %arg4[%mul3A_42, %dma_wait3A_45] : memref<2560x128xi32, #tpu.memory_space<hbm>> -> memref<80x128xi32, #tpu.memory_space<hbm>>
    tpu.wait_dma2 semaphore(%arg16 : memref<!tpu.dma_semaphore, #tpu.memory_space<semaphore_mem>>) src(%dma_wait3A_46 : memref<80x128xi32, #tpu.memory_space<hbm>>) dst(%arg8 : memref<80x128xi32, #tpu.memory_space<vmem>>)
    %barrier3A = arith.constant 0 : index
    tpu.barrier barrier_id(%barrier3A)
    %dma_start3A_47 = arith.constant 0 : i32
    %dma_start3A_48 = arith.constant 0 : i32
    %dma_start3A_49 = arith.constant 0 : i32
    %dma_start3A_50 = arith.constant 0 : i32
    %dma_start3A_51 = tpu.memref_slice %arg9[%dma_start3A_48, %dma_start3A_49, %dma_start3A_50] : memref<2x128x64xf32, #tpu.memory_space<vmem>> -> memref<1x128x64xf32, #tpu.memory_space<vmem>>
    %dma_start3A_52 = tpu.memref_squeeze %dma_start3A_51 : memref<1x128x64xf32, #tpu.memory_space<vmem>> -> memref<128x64xf32, #tpu.memory_space<vmem>>
    %dma_start3A_53 = arith.constant 0 : i32
    %dma_start3A_54 = tpu.memref_slice %arg7[%dma_start3A_47, %dma_start3A_53] : memref<80x128xi32, #tpu.memory_space<vmem>> -> memref<1x128xi32, #tpu.memory_space<vmem>>
    %dma_start3A_55 = tpu.memref_squeeze %dma_start3A_54 : memref<1x128xi32, #tpu.memory_space<vmem>> -> memref<128xi32, #tpu.memory_space<vmem>>
    %dma_start3A_56 = arith.constant 0 : i32
    %dma_start3A_57 = arith.constant 0 : i32
    %dma_start3A_58 = tpu.memref_slice %arg11[%dma_start3A_56, %dma_start3A_57] : memref<10240x64xf32, #tpu.memory_space<vmem_shared>> -> memref<10240x64xf32, #tpu.memory_space<vmem_shared>>
    tpu.enqueue_indirect_dma source(%dma_start3A_58 : memref<10240x64xf32, #tpu.memory_space<vmem_shared>>) target(%dma_start3A_52 : memref<128x64xf32, #tpu.memory_space<vmem>>) offsets(%dma_start3A_55 : memref<128xi32, #tpu.memory_space<vmem>>) semaphore(%arg12 : memref<!tpu.dma_semaphore, #tpu.memory_space<semaphore_mem>>)
    %dma_start3A_59 = arith.constant 1 : i32
    %dma_start3A_60 = arith.constant 1 : i32
    %dma_start3A_61 = arith.constant 0 : i32
    %dma_start3A_62 = arith.constant 0 : i32
    %dma_start3A_63 = tpu.memref_slice %arg9[%dma_start3A_60, %dma_start3A_61, %dma_start3A_62] : memref<2x128x64xf32, #tpu.memory_space<vmem>> -> memref<1x128x64xf32, #tpu.memory_space<vmem>>
    %dma_start3A_64 = tpu.memref_squeeze %dma_start3A_63 : memref<1x128x64xf32, #tpu.memory_space<vmem>> -> memref<128x64xf32, #tpu.memory_space<vmem>>
    %dma_start3A_65 = arith.constant 0 : i32
    %dma_start3A_66 = tpu.memref_slice %arg7[%dma_start3A_59, %dma_start3A_65] : memref<80x128xi32, #tpu.memory_space<vmem>> -> memref<1x128xi32, #tpu.memory_space<vmem>>
    %dma_start3A_67 = tpu.memref_squeeze %dma_start3A_66 : memref<1x128xi32, #tpu.memory_space<vmem>> -> memref<128xi32, #tpu.memory_space<vmem>>
    %dma_start3A_68 = arith.constant 0 : i32
    %dma_start3A_69 = arith.constant 0 : i32
    %dma_start3A_70 = tpu.memref_slice %arg11[%dma_start3A_68, %dma_start3A_69] : memref<10240x64xf32, #tpu.memory_space<vmem_shared>> -> memref<10240x64xf32, #tpu.memory_space<vmem_shared>>
    tpu.enqueue_indirect_dma source(%dma_start3A_70 : memref<10240x64xf32, #tpu.memory_space<vmem_shared>>) target(%dma_start3A_64 : memref<128x64xf32, #tpu.memory_space<vmem>>) offsets(%dma_start3A_67 : memref<128xi32, #tpu.memory_space<vmem>>) semaphore(%arg13 : memref<!tpu.dma_semaphore, #tpu.memory_space<semaphore_mem>>)
    %scan3A = arith.constant 0 : i32
    %scan3A_71 = arith.constant 0 : i32
    %scan3A_72 = arith.constant 39 : i32
    %scan3A_73 = arith.addi %scan3A_71, %scan3A_72 : i32
    %scan3A_74 = arith.constant 1 : i32
    scf.for %scan3A_153 = %scan3A_71 to %scan3A_73 step %scan3A_74  : i32 {
      %mul3A_154 = arith.constant 2 : i32
      %mul3A_155 = arith.muli %scan3A_153, %mul3A_154 : i32
      %add3A_156 = arith.constant 0 : i32
      %add3A_157 = arith.addi %mul3A_155, %add3A_156 : i32
      %dma_wait3A_158 = arith.constant 0 : i32
      %dma_wait3A_159 = arith.constant 0 : i32
      %dma_wait3A_160 = arith.constant 0 : i32
      %dma_wait3A_161 = arith.constant 0 : i32
      %dma_wait3A_162 = tpu.memref_slice %arg9[%dma_wait3A_159, %dma_wait3A_160, %dma_wait3A_161] : memref<2x128x64xf32, #tpu.memory_space<vmem>> -> memref<1x128x64xf32, #tpu.memory_space<vmem>>
      %dma_wait3A_163 = tpu.memref_squeeze %dma_wait3A_162 : memref<1x128x64xf32, #tpu.memory_space<vmem>> -> memref<128x64xf32, #tpu.memory_space<vmem>>
      %dma_wait3A_164 = arith.constant 0 : i32
      %dma_wait3A_165 = tpu.memref_slice %arg7[%dma_wait3A_158, %dma_wait3A_164] : memref<80x128xi32, #tpu.memory_space<vmem>> -> memref<1x128xi32, #tpu.memory_space<vmem>>
      %dma_wait3A_166 = tpu.memref_squeeze %dma_wait3A_165 : memref<1x128xi32, #tpu.memory_space<vmem>> -> memref<128xi32, #tpu.memory_space<vmem>>
      %dma_wait3A_167 = arith.constant 0 : i32
      %dma_wait3A_168 = arith.constant 0 : i32
      %dma_wait3A_169 = tpu.memref_slice %arg11[%dma_wait3A_167, %dma_wait3A_168] : memref<10240x64xf32, #tpu.memory_space<vmem_shared>> -> memref<10240x64xf32, #tpu.memory_space<vmem_shared>>
      tpu.wait_indirect_dma semaphore(%arg12 : memref<!tpu.dma_semaphore, #tpu.memory_space<semaphore_mem>>) src(%dma_wait3A_169 : memref<10240x64xf32, #tpu.memory_space<vmem_shared>>) dst(%dma_wait3A_163 : memref<128x64xf32, #tpu.memory_space<vmem>>)
      %dma_start3A_170 = arith.constant 0 : i32
      %dma_start3A_171 = arith.constant 0 : i32
      %dma_start3A_172 = arith.constant 0 : i32
      %dma_start3A_173 = tpu.memref_slice %arg9[%dma_start3A_170, %dma_start3A_171, %dma_start3A_172] : memref<2x128x64xf32, #tpu.memory_space<vmem>> -> memref<1x128x64xf32, #tpu.memory_space<vmem>>
      %dma_start3A_174 = tpu.memref_squeeze %dma_start3A_173 : memref<1x128x64xf32, #tpu.memory_space<vmem>> -> memref<128x64xf32, #tpu.memory_space<vmem>>
      %dma_start3A_175 = arith.constant 0 : i32
      %dma_start3A_176 = tpu.memref_slice %arg8[%add3A_157, %dma_start3A_175] : memref<80x128xi32, #tpu.memory_space<vmem>> -> memref<1x128xi32, #tpu.memory_space<vmem>>
      %dma_start3A_177 = tpu.memref_squeeze %dma_start3A_176 : memref<1x128xi32, #tpu.memory_space<vmem>> -> memref<128xi32, #tpu.memory_space<vmem>>
      %dma_start3A_178 = arith.constant 0 : i32
      %dma_start3A_179 = arith.constant 0 : i32
      %dma_start3A_180 = tpu.memref_slice %arg10[%dma_start3A_178, %dma_start3A_179] : memref<10240x64xf32, #tpu.memory_space<vmem_shared>> -> memref<10240x64xf32, #tpu.memory_space<vmem_shared>>
      tpu.enqueue_indirect_dma source(%dma_start3A_174 : memref<128x64xf32, #tpu.memory_space<vmem>>) target(%dma_start3A_180 : memref<10240x64xf32, #tpu.memory_space<vmem_shared>>) offsets(%dma_start3A_177 : memref<128xi32, #tpu.memory_space<vmem>>) semaphore(%arg14 : memref<!tpu.dma_semaphore, #tpu.memory_space<semaphore_mem>>) {add = true}
      %mul3A_181 = arith.constant 2 : i32
      %mul3A_182 = arith.muli %scan3A_153, %mul3A_181 : i32
      %add3A_183 = arith.constant 1 : i32
      %add3A_184 = arith.addi %mul3A_182, %add3A_183 : i32
      %dma_wait3A_185 = arith.constant 0 : i32
      %dma_wait3A_186 = arith.constant 1 : i32
      %dma_wait3A_187 = arith.constant 0 : i32
      %dma_wait3A_188 = arith.constant 0 : i32
      %dma_wait3A_189 = tpu.memref_slice %arg9[%dma_wait3A_186, %dma_wait3A_187, %dma_wait3A_188] : memref<2x128x64xf32, #tpu.memory_space<vmem>> -> memref<1x128x64xf32, #tpu.memory_space<vmem>>
      %dma_wait3A_190 = tpu.memref_squeeze %dma_wait3A_189 : memref<1x128x64xf32, #tpu.memory_space<vmem>> -> memref<128x64xf32, #tpu.memory_space<vmem>>
      %dma_wait3A_191 = arith.constant 0 : i32
      %dma_wait3A_192 = tpu.memref_slice %arg7[%dma_wait3A_185, %dma_wait3A_191] : memref<80x128xi32, #tpu.memory_space<vmem>> -> memref<1x128xi32, #tpu.memory_space<vmem>>
      %dma_wait3A_193 = tpu.memref_squeeze %dma_wait3A_192 : memref<1x128xi32, #tpu.memory_space<vmem>> -> memref<128xi32, #tpu.memory_space<vmem>>
      %dma_wait3A_194 = arith.constant 0 : i32
      %dma_wait3A_195 = arith.constant 0 : i32
      %dma_wait3A_196 = tpu.memref_slice %arg11[%dma_wait3A_194, %dma_wait3A_195] : memref<10240x64xf32, #tpu.memory_space<vmem_shared>> -> memref<10240x64xf32, #tpu.memory_space<vmem_shared>>
      tpu.wait_indirect_dma semaphore(%arg13 : memref<!tpu.dma_semaphore, #tpu.memory_space<semaphore_mem>>) src(%dma_wait3A_196 : memref<10240x64xf32, #tpu.memory_space<vmem_shared>>) dst(%dma_wait3A_190 : memref<128x64xf32, #tpu.memory_space<vmem>>)
      %dma_start3A_197 = arith.constant 1 : i32
      %dma_start3A_198 = arith.constant 0 : i32
      %dma_start3A_199 = arith.constant 0 : i32
      %dma_start3A_200 = tpu.memref_slice %arg9[%dma_start3A_197, %dma_start3A_198, %dma_start3A_199] : memref<2x128x64xf32, #tpu.memory_space<vmem>> -> memref<1x128x64xf32, #tpu.memory_space<vmem>>
      %dma_start3A_201 = tpu.memref_squeeze %dma_start3A_200 : memref<1x128x64xf32, #tpu.memory_space<vmem>> -> memref<128x64xf32, #tpu.memory_space<vmem>>
      %dma_start3A_202 = arith.constant 0 : i32
      %dma_start3A_203 = tpu.memref_slice %arg8[%add3A_184, %dma_start3A_202] : memref<80x128xi32, #tpu.memory_space<vmem>> -> memref<1x128xi32, #tpu.memory_space<vmem>>
      %dma_start3A_204 = tpu.memref_squeeze %dma_start3A_203 : memref<1x128xi32, #tpu.memory_space<vmem>> -> memref<128xi32, #tpu.memory_space<vmem>>
      %dma_start3A_205 = arith.constant 0 : i32
      %dma_start3A_206 = arith.constant 0 : i32
      %dma_start3A_207 = tpu.memref_slice %arg10[%dma_start3A_205, %dma_start3A_206] : memref<10240x64xf32, #tpu.memory_space<vmem_shared>> -> memref<10240x64xf32, #tpu.memory_space<vmem_shared>>
      tpu.enqueue_indirect_dma source(%dma_start3A_201 : memref<128x64xf32, #tpu.memory_space<vmem>>) target(%dma_start3A_207 : memref<10240x64xf32, #tpu.memory_space<vmem_shared>>) offsets(%dma_start3A_204 : memref<128xi32, #tpu.memory_space<vmem>>) semaphore(%arg15 : memref<!tpu.dma_semaphore, #tpu.memory_space<semaphore_mem>>) {add = true}
      %add3A_208 = arith.constant 1 : i32
      %add3A_209 = arith.addi %scan3A_153, %add3A_208 : i32
      %mul3A_210 = arith.constant 2 : i32
      %mul3A_211 = arith.muli %add3A_209, %mul3A_210 : i32
      %add3A_212 = arith.constant 0 : i32
      %add3A_213 = arith.addi %mul3A_211, %add3A_212 : i32
      %dma_wait3A_214 = arith.constant 0 : i32
      %dma_wait3A_215 = arith.constant 0 : i32
      %dma_wait3A_216 = arith.constant 0 : i32
      %dma_wait3A_217 = arith.constant 0 : i32
      %dma_wait3A_218 = tpu.memref_slice %arg9[%dma_wait3A_214, %dma_wait3A_216, %dma_wait3A_217] : memref<2x128x64xf32, #tpu.memory_space<vmem>> -> memref<1x128x64xf32, #tpu.memory_space<vmem>>
      %dma_wait3A_219 = tpu.memref_squeeze %dma_wait3A_218 : memref<1x128x64xf32, #tpu.memory_space<vmem>> -> memref<128x64xf32, #tpu.memory_space<vmem>>
      %dma_wait3A_220 = arith.constant 0 : i32
      %dma_wait3A_221 = tpu.memref_slice %arg8[%dma_wait3A_215, %dma_wait3A_220] : memref<80x128xi32, #tpu.memory_space<vmem>> -> memref<1x128xi32, #tpu.memory_space<vmem>>
      %dma_wait3A_222 = tpu.memref_squeeze %dma_wait3A_221 : memref<1x128xi32, #tpu.memory_space<vmem>> -> memref<128xi32, #tpu.memory_space<vmem>>
      %dma_wait3A_223 = arith.constant 0 : i32
      %dma_wait3A_224 = arith.constant 0 : i32
      %dma_wait3A_225 = tpu.memref_slice %arg10[%dma_wait3A_223, %dma_wait3A_224] : memref<10240x64xf32, #tpu.memory_space<vmem_shared>> -> memref<10240x64xf32, #tpu.memory_space<vmem_shared>>
      tpu.wait_indirect_dma semaphore(%arg14 : memref<!tpu.dma_semaphore, #tpu.memory_space<semaphore_mem>>) src(%dma_wait3A_219 : memref<128x64xf32, #tpu.memory_space<vmem>>) dst(%dma_wait3A_225 : memref<10240x64xf32, #tpu.memory_space<vmem_shared>>)
      %dma_start3A_226 = arith.constant 0 : i32
      %dma_start3A_227 = arith.constant 0 : i32
      %dma_start3A_228 = arith.constant 0 : i32
      %dma_start3A_229 = tpu.memref_slice %arg9[%dma_start3A_226, %dma_start3A_227, %dma_start3A_228] : memref<2x128x64xf32, #tpu.memory_space<vmem>> -> memref<1x128x64xf32, #tpu.memory_space<vmem>>
      %dma_start3A_230 = tpu.memref_squeeze %dma_start3A_229 : memref<1x128x64xf32, #tpu.memory_space<vmem>> -> memref<128x64xf32, #tpu.memory_space<vmem>>
      %dma_start3A_231 = arith.constant 0 : i32
      %dma_start3A_232 = tpu.memref_slice %arg7[%add3A_213, %dma_start3A_231] : memref<80x128xi32, #tpu.memory_space<vmem>> -> memref<1x128xi32, #tpu.memory_space<vmem>>
      %dma_start3A_233 = tpu.memref_squeeze %dma_start3A_232 : memref<1x128xi32, #tpu.memory_space<vmem>> -> memref<128xi32, #tpu.memory_space<vmem>>
      %dma_start3A_234 = arith.constant 0 : i32
      %dma_start3A_235 = arith.constant 0 : i32
      %dma_start3A_236 = tpu.memref_slice %arg11[%dma_start3A_234, %dma_start3A_235] : memref<10240x64xf32, #tpu.memory_space<vmem_shared>> -> memref<10240x64xf32, #tpu.memory_space<vmem_shared>>
      tpu.enqueue_indirect_dma source(%dma_start3A_236 : memref<10240x64xf32, #tpu.memory_space<vmem_shared>>) target(%dma_start3A_230 : memref<128x64xf32, #tpu.memory_space<vmem>>) offsets(%dma_start3A_233 : memref<128xi32, #tpu.memory_space<vmem>>) semaphore(%arg12 : memref<!tpu.dma_semaphore, #tpu.memory_space<semaphore_mem>>)
      %add3A_237 = arith.constant 1 : i32
      %add3A_238 = arith.addi %scan3A_153, %add3A_237 : i32
      %mul3A_239 = arith.constant 2 : i32
      %mul3A_240 = arith.muli %add3A_238, %mul3A_239 : i32
      %add3A_241 = arith.constant 1 : i32
      %add3A_242 = arith.addi %mul3A_240, %add3A_241 : i32
      %dma_wait3A_243 = arith.constant 1 : i32
      %dma_wait3A_244 = arith.constant 0 : i32
      %dma_wait3A_245 = arith.constant 0 : i32
      %dma_wait3A_246 = arith.constant 0 : i32
      %dma_wait3A_247 = tpu.memref_slice %arg9[%dma_wait3A_243, %dma_wait3A_245, %dma_wait3A_246] : memref<2x128x64xf32, #tpu.memory_space<vmem>> -> memref<1x128x64xf32, #tpu.memory_space<vmem>>
      %dma_wait3A_248 = tpu.memref_squeeze %dma_wait3A_247 : memref<1x128x64xf32, #tpu.memory_space<vmem>> -> memref<128x64xf32, #tpu.memory_space<vmem>>
      %dma_wait3A_249 = arith.constant 0 : i32
      %dma_wait3A_250 = tpu.memref_slice %arg8[%dma_wait3A_244, %dma_wait3A_249] : memref<80x128xi32, #tpu.memory_space<vmem>> -> memref<1x128xi32, #tpu.memory_space<vmem>>
      %dma_wait3A_251 = tpu.memref_squeeze %dma_wait3A_250 : memref<1x128xi32, #tpu.memory_space<vmem>> -> memref<128xi32, #tpu.memory_space<vmem>>
      %dma_wait3A_252 = arith.constant 0 : i32
      %dma_wait3A_253 = arith.constant 0 : i32
      %dma_wait3A_254 = tpu.memref_slice %arg10[%dma_wait3A_252, %dma_wait3A_253] : memref<10240x64xf32, #tpu.memory_space<vmem_shared>> -> memref<10240x64xf32, #tpu.memory_space<vmem_shared>>
      tpu.wait_indirect_dma semaphore(%arg15 : memref<!tpu.dma_semaphore, #tpu.memory_space<semaphore_mem>>) src(%dma_wait3A_248 : memref<128x64xf32, #tpu.memory_space<vmem>>) dst(%dma_wait3A_254 : memref<10240x64xf32, #tpu.memory_space<vmem_shared>>)
      %dma_start3A_255 = arith.constant 1 : i32
      %dma_start3A_256 = arith.constant 0 : i32
      %dma_start3A_257 = arith.constant 0 : i32
      %dma_start3A_258 = tpu.memref_slice %arg9[%dma_start3A_255, %dma_start3A_256, %dma_start3A_257] : memref<2x128x64xf32, #tpu.memory_space<vmem>> -> memref<1x128x64xf32, #tpu.memory_space<vmem>>
      %dma_start3A_259 = tpu.memref_squeeze %dma_start3A_258 : memref<1x128x64xf32, #tpu.memory_space<vmem>> -> memref<128x64xf32, #tpu.memory_space<vmem>>
      %dma_start3A_260 = arith.constant 0 : i32
      %dma_start3A_261 = tpu.memref_slice %arg7[%add3A_242, %dma_start3A_260] : memref<80x128xi32, #tpu.memory_space<vmem>> -> memref<1x128xi32, #tpu.memory_space<vmem>>
      %dma_start3A_262 = tpu.memref_squeeze %dma_start3A_261 : memref<1x128xi32, #tpu.memory_space<vmem>> -> memref<128xi32, #tpu.memory_space<vmem>>
      %dma_start3A_263 = arith.constant 0 : i32
      %dma_start3A_264 = arith.constant 0 : i32
      %dma_start3A_265 = tpu.memref_slice %arg11[%dma_start3A_263, %dma_start3A_264] : memref<10240x64xf32, #tpu.memory_space<vmem_shared>> -> memref<10240x64xf32, #tpu.memory_space<vmem_shared>>
      tpu.enqueue_indirect_dma source(%dma_start3A_265 : memref<10240x64xf32, #tpu.memory_space<vmem_shared>>) target(%dma_start3A_259 : memref<128x64xf32, #tpu.memory_space<vmem>>) offsets(%dma_start3A_262 : memref<128xi32, #tpu.memory_space<vmem>>) semaphore(%arg13 : memref<!tpu.dma_semaphore, #tpu.memory_space<semaphore_mem>>)
    }
    %scan3A_75 = arith.constant 39 : i32
    %dma_wait3A_76 = arith.constant 0 : i32
    %dma_wait3A_77 = arith.constant 0 : i32
    %dma_wait3A_78 = arith.constant 0 : i32
    %dma_wait3A_79 = arith.constant 0 : i32
    %dma_wait3A_80 = tpu.memref_slice %arg9[%dma_wait3A_77, %dma_wait3A_78, %dma_wait3A_79] : memref<2x128x64xf32, #tpu.memory_space<vmem>> -> memref<1x128x64xf32, #tpu.memory_space<vmem>>
    %dma_wait3A_81 = tpu.memref_squeeze %dma_wait3A_80 : memref<1x128x64xf32, #tpu.memory_space<vmem>> -> memref<128x64xf32, #tpu.memory_space<vmem>>
    %dma_wait3A_82 = arith.constant 0 : i32
    %dma_wait3A_83 = tpu.memref_slice %arg7[%dma_wait3A_76, %dma_wait3A_82] : memref<80x128xi32, #tpu.memory_space<vmem>> -> memref<1x128xi32, #tpu.memory_space<vmem>>
    %dma_wait3A_84 = tpu.memref_squeeze %dma_wait3A_83 : memref<1x128xi32, #tpu.memory_space<vmem>> -> memref<128xi32, #tpu.memory_space<vmem>>
    %dma_wait3A_85 = arith.constant 0 : i32
    %dma_wait3A_86 = arith.constant 0 : i32
    %dma_wait3A_87 = tpu.memref_slice %arg11[%dma_wait3A_85, %dma_wait3A_86] : memref<10240x64xf32, #tpu.memory_space<vmem_shared>> -> memref<10240x64xf32, #tpu.memory_space<vmem_shared>>
    tpu.wait_indirect_dma semaphore(%arg12 : memref<!tpu.dma_semaphore, #tpu.memory_space<semaphore_mem>>) src(%dma_wait3A_87 : memref<10240x64xf32, #tpu.memory_space<vmem_shared>>) dst(%dma_wait3A_81 : memref<128x64xf32, #tpu.memory_space<vmem>>)
    %dma_start3A_88 = arith.constant 0 : i32
    %dma_start3A_89 = arith.constant 78 : i32
    %dma_start3A_90 = arith.constant 0 : i32
    %dma_start3A_91 = arith.constant 0 : i32
    %dma_start3A_92 = tpu.memref_slice %arg9[%dma_start3A_88, %dma_start3A_90, %dma_start3A_91] : memref<2x128x64xf32, #tpu.memory_space<vmem>> -> memref<1x128x64xf32, #tpu.memory_space<vmem>>
    %dma_start3A_93 = tpu.memref_squeeze %dma_start3A_92 : memref<1x128x64xf32, #tpu.memory_space<vmem>> -> memref<128x64xf32, #tpu.memory_space<vmem>>
    %dma_start3A_94 = arith.constant 0 : i32
    %dma_start3A_95 = tpu.memref_slice %arg8[%dma_start3A_89, %dma_start3A_94] : memref<80x128xi32, #tpu.memory_space<vmem>> -> memref<1x128xi32, #tpu.memory_space<vmem>>
    %dma_start3A_96 = tpu.memref_squeeze %dma_start3A_95 : memref<1x128xi32, #tpu.memory_space<vmem>> -> memref<128xi32, #tpu.memory_space<vmem>>
    %dma_start3A_97 = arith.constant 0 : i32
    %dma_start3A_98 = arith.constant 0 : i32
    %dma_start3A_99 = tpu.memref_slice %arg10[%dma_start3A_97, %dma_start3A_98] : memref<10240x64xf32, #tpu.memory_space<vmem_shared>> -> memref<10240x64xf32, #tpu.memory_space<vmem_shared>>
    tpu.enqueue_indirect_dma source(%dma_start3A_93 : memref<128x64xf32, #tpu.memory_space<vmem>>) target(%dma_start3A_99 : memref<10240x64xf32, #tpu.memory_space<vmem_shared>>) offsets(%dma_start3A_96 : memref<128xi32, #tpu.memory_space<vmem>>) semaphore(%arg14 : memref<!tpu.dma_semaphore, #tpu.memory_space<semaphore_mem>>) {add = true}
    %dma_wait3A_100 = arith.constant 0 : i32
    %dma_wait3A_101 = arith.constant 1 : i32
    %dma_wait3A_102 = arith.constant 0 : i32
    %dma_wait3A_103 = arith.constant 0 : i32
    %dma_wait3A_104 = tpu.memref_slice %arg9[%dma_wait3A_101, %dma_wait3A_102, %dma_wait3A_103] : memref<2x128x64xf32, #tpu.memory_space<vmem>> -> memref<1x128x64xf32, #tpu.memory_space<vmem>>
    %dma_wait3A_105 = tpu.memref_squeeze %dma_wait3A_104 : memref<1x128x64xf32, #tpu.memory_space<vmem>> -> memref<128x64xf32, #tpu.memory_space<vmem>>
    %dma_wait3A_106 = arith.constant 0 : i32
    %dma_wait3A_107 = tpu.memref_slice %arg7[%dma_wait3A_100, %dma_wait3A_106] : memref<80x128xi32, #tpu.memory_space<vmem>> -> memref<1x128xi32, #tpu.memory_space<vmem>>
    %dma_wait3A_108 = tpu.memref_squeeze %dma_wait3A_107 : memref<1x128xi32, #tpu.memory_space<vmem>> -> memref<128xi32, #tpu.memory_space<vmem>>
    %dma_wait3A_109 = arith.constant 0 : i32
    %dma_wait3A_110 = arith.constant 0 : i32
    %dma_wait3A_111 = tpu.memref_slice %arg11[%dma_wait3A_109, %dma_wait3A_110] : memref<10240x64xf32, #tpu.memory_space<vmem_shared>> -> memref<10240x64xf32, #tpu.memory_space<vmem_shared>>
    tpu.wait_indirect_dma semaphore(%arg13 : memref<!tpu.dma_semaphore, #tpu.memory_space<semaphore_mem>>) src(%dma_wait3A_111 : memref<10240x64xf32, #tpu.memory_space<vmem_shared>>) dst(%dma_wait3A_105 : memref<128x64xf32, #tpu.memory_space<vmem>>)
    %dma_start3A_112 = arith.constant 1 : i32
    %dma_start3A_113 = arith.constant 79 : i32
    %dma_start3A_114 = arith.constant 0 : i32
    %dma_start3A_115 = arith.constant 0 : i32
    %dma_start3A_116 = tpu.memref_slice %arg9[%dma_start3A_112, %dma_start3A_114, %dma_start3A_115] : memref<2x128x64xf32, #tpu.memory_space<vmem>> -> memref<1x128x64xf32, #tpu.memory_space<vmem>>
    %dma_start3A_117 = tpu.memref_squeeze %dma_start3A_116 : memref<1x128x64xf32, #tpu.memory_space<vmem>> -> memref<128x64xf32, #tpu.memory_space<vmem>>
    %dma_start3A_118 = arith.constant 0 : i32
    %dma_start3A_119 = tpu.memref_slice %arg8[%dma_start3A_113, %dma_start3A_118] : memref<80x128xi32, #tpu.memory_space<vmem>> -> memref<1x128xi32, #tpu.memory_space<vmem>>
    %dma_start3A_120 = tpu.memref_squeeze %dma_start3A_119 : memref<1x128xi32, #tpu.memory_space<vmem>> -> memref<128xi32, #tpu.memory_space<vmem>>
    %dma_start3A_121 = arith.constant 0 : i32
    %dma_start3A_122 = arith.constant 0 : i32
    %dma_start3A_123 = tpu.memref_slice %arg10[%dma_start3A_121, %dma_start3A_122] : memref<10240x64xf32, #tpu.memory_space<vmem_shared>> -> memref<10240x64xf32, #tpu.memory_space<vmem_shared>>
    tpu.enqueue_indirect_dma source(%dma_start3A_117 : memref<128x64xf32, #tpu.memory_space<vmem>>) target(%dma_start3A_123 : memref<10240x64xf32, #tpu.memory_space<vmem_shared>>) offsets(%dma_start3A_120 : memref<128xi32, #tpu.memory_space<vmem>>) semaphore(%arg15 : memref<!tpu.dma_semaphore, #tpu.memory_space<semaphore_mem>>) {add = true}
    %dma_wait3A_124 = arith.constant 0 : i32
    %dma_wait3A_125 = arith.constant 0 : i32
    %dma_wait3A_126 = arith.constant 0 : i32
    %dma_wait3A_127 = arith.constant 0 : i32
    %dma_wait3A_128 = tpu.memref_slice %arg9[%dma_wait3A_124, %dma_wait3A_126, %dma_wait3A_127] : memref<2x128x64xf32, #tpu.memory_space<vmem>> -> memref<1x128x64xf32, #tpu.memory_space<vmem>>
    %dma_wait3A_129 = tpu.memref_squeeze %dma_wait3A_128 : memref<1x128x64xf32, #tpu.memory_space<vmem>> -> memref<128x64xf32, #tpu.memory_space<vmem>>
    %dma_wait3A_130 = arith.constant 0 : i32
    %dma_wait3A_131 = tpu.memref_slice %arg8[%dma_wait3A_125, %dma_wait3A_130] : memref<80x128xi32, #tpu.memory_space<vmem>> -> memref<1x128xi32, #tpu.memory_space<vmem>>
    %dma_wait3A_132 = tpu.memref_squeeze %dma_wait3A_131 : memref<1x128xi32, #tpu.memory_space<vmem>> -> memref<128xi32, #tpu.memory_space<vmem>>
    %dma_wait3A_133 = arith.constant 0 : i32
    %dma_wait3A_134 = arith.constant 0 : i32
    %dma_wait3A_135 = tpu.memref_slice %arg10[%dma_wait3A_133, %dma_wait3A_134] : memref<10240x64xf32, #tpu.memory_space<vmem_shared>> -> memref<10240x64xf32, #tpu.memory_space<vmem_shared>>
    tpu.wait_indirect_dma semaphore(%arg14 : memref<!tpu.dma_semaphore, #tpu.memory_space<semaphore_mem>>) src(%dma_wait3A_129 : memref<128x64xf32, #tpu.memory_space<vmem>>) dst(%dma_wait3A_135 : memref<10240x64xf32, #tpu.memory_space<vmem_shared>>)
    %dma_wait3A_136 = arith.constant 1 : i32
    %dma_wait3A_137 = arith.constant 0 : i32
    %dma_wait3A_138 = arith.constant 0 : i32
    %dma_wait3A_139 = arith.constant 0 : i32
    %dma_wait3A_140 = tpu.memref_slice %arg9[%dma_wait3A_136, %dma_wait3A_138, %dma_wait3A_139] : memref<2x128x64xf32, #tpu.memory_space<vmem>> -> memref<1x128x64xf32, #tpu.memory_space<vmem>>
    %dma_wait3A_141 = tpu.memref_squeeze %dma_wait3A_140 : memref<1x128x64xf32, #tpu.memory_space<vmem>> -> memref<128x64xf32, #tpu.memory_space<vmem>>
    %dma_wait3A_142 = arith.constant 0 : i32
    %dma_wait3A_143 = tpu.memref_slice %arg8[%dma_wait3A_137, %dma_wait3A_142] : memref<80x128xi32, #tpu.memory_space<vmem>> -> memref<1x128xi32, #tpu.memory_space<vmem>>
    %dma_wait3A_144 = tpu.memref_squeeze %dma_wait3A_143 : memref<1x128xi32, #tpu.memory_space<vmem>> -> memref<128xi32, #tpu.memory_space<vmem>>
    %dma_wait3A_145 = arith.constant 0 : i32
    %dma_wait3A_146 = arith.constant 0 : i32
    %dma_wait3A_147 = tpu.memref_slice %arg10[%dma_wait3A_145, %dma_wait3A_146] : memref<10240x64xf32, #tpu.memory_space<vmem_shared>> -> memref<10240x64xf32, #tpu.memory_space<vmem_shared>>
    tpu.wait_indirect_dma semaphore(%arg15 : memref<!tpu.dma_semaphore, #tpu.memory_space<semaphore_mem>>) src(%dma_wait3A_141 : memref<128x64xf32, #tpu.memory_space<vmem>>) dst(%dma_wait3A_147 : memref<10240x64xf32, #tpu.memory_space<vmem_shared>>)
    %barrier3A_148 = arith.constant 0 : index
    tpu.barrier barrier_id(%barrier3A_148)
    %mul3A_149 = arith.constant 640 : i32
    %mul3A_150 = arith.muli %arg1, %mul3A_149 : i32
    %mul3A_151 = arith.constant 640 : i32
    %mul3A_152 = arith.muli %arg1, %mul3A_151 : i32
    "tpu.region"() ({
      %run_scoped3A = tpu.sem_alloc : memref<!tpu.dma_semaphore, #tpu.memory_space<semaphore_mem>>
      %dma_start3A_153 = arith.constant 0 : i32
      %dma_start3A_154 = tpu.memref_slice %arg6[%arg0, %mul3A_152, %dma_start3A_153] : memref<2x10240x64xf32, #tpu.memory_space<hbm>> -> memref<1x640x64xf32, #tpu.memory_space<hbm>>
      %dma_start3A_155 = tpu.memref_squeeze %dma_start3A_154 : memref<1x640x64xf32, #tpu.memory_space<hbm>> -> memref<640x64xf32, #tpu.memory_space<hbm>>
      %dma_start3A_156 = arith.constant 0 : i32
      %dma_start3A_157 = tpu.memref_slice %arg10[%mul3A_150, %dma_start3A_156] : memref<10240x64xf32, #tpu.memory_space<vmem_shared>> -> memref<640x64xf32, #tpu.memory_space<vmem_shared>>
      tpu.enqueue_dma source(%dma_start3A_157 : memref<640x64xf32, #tpu.memory_space<vmem_shared>>) target(%dma_start3A_155 : memref<640x64xf32, #tpu.memory_space<hbm>>) target_semaphore(%run_scoped3A : memref<!tpu.dma_semaphore, #tpu.memory_space<semaphore_mem>>)
      %dma_wait3A_158 = arith.constant 0 : i32
      %dma_wait3A_159 = tpu.memref_slice %arg6[%arg0, %mul3A_152, %dma_wait3A_158] : memref<2x10240x64xf32, #tpu.memory_space<hbm>> -> memref<1x640x64xf32, #tpu.memory_space<hbm>>
      %dma_wait3A_160 = tpu.memref_squeeze %dma_wait3A_159 : memref<1x640x64xf32, #tpu.memory_space<hbm>> -> memref<640x64xf32, #tpu.memory_space<hbm>>
      %dma_wait3A_161 = arith.constant 0 : i32
      %dma_wait3A_162 = tpu.memref_slice %arg10[%mul3A_150, %dma_wait3A_161] : memref<10240x64xf32, #tpu.memory_space<vmem_shared>> -> memref<640x64xf32, #tpu.memory_space<vmem_shared>>
      tpu.wait_dma2 semaphore(%run_scoped3A : memref<!tpu.dma_semaphore, #tpu.memory_space<semaphore_mem>>) src(%dma_wait3A_162 : memref<640x64xf32, #tpu.memory_space<vmem_shared>>) dst(%dma_wait3A_160 : memref<640x64xf32, #tpu.memory_space<hbm>>)
      tpu.yield
    }) : () -> ()
    return
  }
}

#map = affine_map<(d0, d1) -> (0, 0)>
#map1 = affine_map<(d0, d1) -> (0, 0, 0)>
module attributes {stable_mosaic.version = 14 : i64} {
  func.func @_sc_agg(%arg0: i32, %arg1: i32, %arg2: memref<10240x64xf32, #tpu.memory_space<hbm>>, %arg3: memref<2560x128xi32, #tpu.memory_space<hbm>>, %arg4: memref<2560x128xi32, #tpu.memory_space<hbm>>, %arg5: memref<640x64xf32, #tpu.memory_space<hbm>>, %arg6: memref<2x10240x64xf32, #tpu.memory_space<hbm>>, %arg7: memref<80x128xi32, #tpu.memory_space<vmem>>, %arg8: memref<80x128xi32, #tpu.memory_space<vmem>>, %arg9: memref<2x128x64xf32, #tpu.memory_space<vmem>>, %arg10: memref<10240x64xf32, #tpu.memory_space<vmem_shared>>, %arg11: memref<10240x64xf32, #tpu.memory_space<vmem_shared>>, %arg12: memref<!tpu.dma_semaphore, #tpu.memory_space<semaphore_mem>>, %arg13: memref<!tpu.dma_semaphore, #tpu.memory_space<semaphore_mem>>, %arg14: memref<!tpu.dma_semaphore, #tpu.memory_space<semaphore_mem>>, %arg15: memref<!tpu.dma_semaphore, #tpu.memory_space<semaphore_mem>>, %arg16: memref<!tpu.dma_semaphore, #tpu.memory_space<semaphore_mem>>) attributes {dimension_semantics = [#tpu.dimension_semantics<core_parallel>, #tpu.dimension_semantics<subcore_parallel>], iteration_bounds = array<i64: 2, 16>, scalar_prefetch = 0 : i64, scratch_operands = 10 : i64, tpu.core_type = #tpu.core_type<sc_vector_subcore>, window_params = [{transform_indices = #map}, {transform_indices = #map}, {transform_indices = #map}, {transform_indices = #map}, {transform_indices = #map1}]} {
    %mul3A = arith.constant 16 : i32
    %mul3A_0 = arith.muli %arg0, %mul3A : i32
    %add3A = arith.addi %mul3A_0, %arg1 : i32
    %mul3A_1 = arith.constant 640 : i32
    %mul3A_2 = arith.muli %arg1, %mul3A_1 : i32
    %dma_start3A = arith.constant 0 : i32
    %dma_start3A_3 = tpu.memref_slice %arg10[%mul3A_2, %dma_start3A] : memref<10240x64xf32, #tpu.memory_space<vmem_shared>> -> memref<640x64xf32, #tpu.memory_space<vmem_shared>>
    tpu.enqueue_dma source(%arg5 : memref<640x64xf32, #tpu.memory_space<hbm>>) target(%dma_start3A_3 : memref<640x64xf32, #tpu.memory_space<vmem_shared>>) target_semaphore(%arg16 : memref<!tpu.dma_semaphore, #tpu.memory_space<semaphore_mem>>)
    %mul3A_4 = arith.constant 640 : i32
    %mul3A_5 = arith.muli %arg1, %mul3A_4 : i32
    %mul3A_6 = arith.constant 640 : i32
    %mul3A_7 = arith.muli %arg1, %mul3A_6 : i32
    %dma_start3A_8 = arith.constant 0 : i32
    %dma_start3A_9 = tpu.memref_slice %arg11[%mul3A_7, %dma_start3A_8] : memref<10240x64xf32, #tpu.memory_space<vmem_shared>> -> memref<640x64xf32, #tpu.memory_space<vmem_shared>>
    %dma_start3A_10 = arith.constant 0 : i32
    %dma_start3A_11 = tpu.memref_slice %arg2[%mul3A_5, %dma_start3A_10] : memref<10240x64xf32, #tpu.memory_space<hbm>> -> memref<640x64xf32, #tpu.memory_space<hbm>>
    tpu.enqueue_dma source(%dma_start3A_11 : memref<640x64xf32, #tpu.memory_space<hbm>>) target(%dma_start3A_9 : memref<640x64xf32, #tpu.memory_space<vmem_shared>>) target_semaphore(%arg16 : memref<!tpu.dma_semaphore, #tpu.memory_space<semaphore_mem>>)
    %mul3A_12 = arith.constant 80 : i32
    %mul3A_13 = arith.muli %add3A, %mul3A_12 : i32
    %dma_start3A_14 = arith.constant 0 : i32
    %dma_start3A_15 = tpu.memref_slice %arg3[%mul3A_13, %dma_start3A_14] : memref<2560x128xi32, #tpu.memory_space<hbm>> -> memref<80x128xi32, #tpu.memory_space<hbm>>
    %dma_start3A_16 = arith.constant 0 : i32
    %dma_start3A_17 = tpu.memref_slice %arg3[%mul3A_13, %dma_start3A_16] : memref<2560x128xi32, #tpu.memory_space<hbm>> -> memref<80x128xi32, #tpu.memory_space<hbm>>
    tpu.enqueue_dma source(%dma_start3A_17 : memref<80x128xi32, #tpu.memory_space<hbm>>) target(%arg7 : memref<80x128xi32, #tpu.memory_space<vmem>>) target_semaphore(%arg16 : memref<!tpu.dma_semaphore, #tpu.memory_space<semaphore_mem>>)
    %mul3A_18 = arith.constant 80 : i32
    %mul3A_19 = arith.muli %add3A, %mul3A_18 : i32
    %dma_start3A_20 = arith.constant 0 : i32
    %dma_start3A_21 = tpu.memref_slice %arg4[%mul3A_19, %dma_start3A_20] : memref<2560x128xi32, #tpu.memory_space<hbm>> -> memref<80x128xi32, #tpu.memory_space<hbm>>
    %dma_start3A_22 = arith.constant 0 : i32
    %dma_start3A_23 = tpu.memref_slice %arg4[%mul3A_19, %dma_start3A_22] : memref<2560x128xi32, #tpu.memory_space<hbm>> -> memref<80x128xi32, #tpu.memory_space<hbm>>
    tpu.enqueue_dma source(%dma_start3A_23 : memref<80x128xi32, #tpu.memory_space<hbm>>) target(%arg8 : memref<80x128xi32, #tpu.memory_space<vmem>>) target_semaphore(%arg16 : memref<!tpu.dma_semaphore, #tpu.memory_space<semaphore_mem>>)
    %mul3A_24 = arith.constant 640 : i32
    %mul3A_25 = arith.muli %arg1, %mul3A_24 : i32
    %dma_wait3A = arith.constant 0 : i32
    %dma_wait3A_26 = tpu.memref_slice %arg10[%mul3A_25, %dma_wait3A] : memref<10240x64xf32, #tpu.memory_space<vmem_shared>> -> memref<640x64xf32, #tpu.memory_space<vmem_shared>>
    tpu.wait_dma2 semaphore(%arg16 : memref<!tpu.dma_semaphore, #tpu.memory_space<semaphore_mem>>) src(%arg5 : memref<640x64xf32, #tpu.memory_space<hbm>>) dst(%dma_wait3A_26 : memref<640x64xf32, #tpu.memory_space<vmem_shared>>)
    %mul3A_27 = arith.constant 640 : i32
    %mul3A_28 = arith.muli %arg1, %mul3A_27 : i32
    %mul3A_29 = arith.constant 640 : i32
    %mul3A_30 = arith.muli %arg1, %mul3A_29 : i32
    %dma_wait3A_31 = arith.constant 0 : i32
    %dma_wait3A_32 = tpu.memref_slice %arg11[%mul3A_30, %dma_wait3A_31] : memref<10240x64xf32, #tpu.memory_space<vmem_shared>> -> memref<640x64xf32, #tpu.memory_space<vmem_shared>>
    %dma_wait3A_33 = arith.constant 0 : i32
    %dma_wait3A_34 = tpu.memref_slice %arg2[%mul3A_28, %dma_wait3A_33] : memref<10240x64xf32, #tpu.memory_space<hbm>> -> memref<640x64xf32, #tpu.memory_space<hbm>>
    tpu.wait_dma2 semaphore(%arg16 : memref<!tpu.dma_semaphore, #tpu.memory_space<semaphore_mem>>) src(%dma_wait3A_34 : memref<640x64xf32, #tpu.memory_space<hbm>>) dst(%dma_wait3A_32 : memref<640x64xf32, #tpu.memory_space<vmem_shared>>)
    %mul3A_35 = arith.constant 80 : i32
    %mul3A_36 = arith.muli %add3A, %mul3A_35 : i32
    %dma_wait3A_37 = arith.constant 0 : i32
    %dma_wait3A_38 = tpu.memref_slice %arg3[%mul3A_36, %dma_wait3A_37] : memref<2560x128xi32, #tpu.memory_space<hbm>> -> memref<80x128xi32, #tpu.memory_space<hbm>>
    %dma_wait3A_39 = arith.constant 0 : i32
    %dma_wait3A_40 = tpu.memref_slice %arg3[%mul3A_36, %dma_wait3A_39] : memref<2560x128xi32, #tpu.memory_space<hbm>> -> memref<80x128xi32, #tpu.memory_space<hbm>>
    tpu.wait_dma2 semaphore(%arg16 : memref<!tpu.dma_semaphore, #tpu.memory_space<semaphore_mem>>) src(%dma_wait3A_40 : memref<80x128xi32, #tpu.memory_space<hbm>>) dst(%arg7 : memref<80x128xi32, #tpu.memory_space<vmem>>)
    %mul3A_41 = arith.constant 80 : i32
    %mul3A_42 = arith.muli %add3A, %mul3A_41 : i32
    %dma_wait3A_43 = arith.constant 0 : i32
    %dma_wait3A_44 = tpu.memref_slice %arg4[%mul3A_42, %dma_wait3A_43] : memref<2560x128xi32, #tpu.memory_space<hbm>> -> memref<80x128xi32, #tpu.memory_space<hbm>>
    %dma_wait3A_45 = arith.constant 0 : i32
    %dma_wait3A_46 = tpu.memref_slice %arg4[%mul3A_42, %dma_wait3A_45] : memref<2560x128xi32, #tpu.memory_space<hbm>> -> memref<80x128xi32, #tpu.memory_space<hbm>>
    tpu.wait_dma2 semaphore(%arg16 : memref<!tpu.dma_semaphore, #tpu.memory_space<semaphore_mem>>) src(%dma_wait3A_46 : memref<80x128xi32, #tpu.memory_space<hbm>>) dst(%arg8 : memref<80x128xi32, #tpu.memory_space<vmem>>)
    %barrier3A = arith.constant 0 : index
    tpu.barrier barrier_id(%barrier3A)
    %dma_start3A_47 = arith.constant 0 : i32
    %dma_start3A_48 = arith.constant 0 : i32
    %dma_start3A_49 = arith.constant 0 : i32
    %dma_start3A_50 = arith.constant 0 : i32
    %dma_start3A_51 = tpu.memref_slice %arg9[%dma_start3A_48, %dma_start3A_49, %dma_start3A_50] : memref<2x128x64xf32, #tpu.memory_space<vmem>> -> memref<1x128x64xf32, #tpu.memory_space<vmem>>
    %dma_start3A_52 = tpu.memref_squeeze %dma_start3A_51 : memref<1x128x64xf32, #tpu.memory_space<vmem>> -> memref<128x64xf32, #tpu.memory_space<vmem>>
    %dma_start3A_53 = arith.constant 0 : i32
    %dma_start3A_54 = tpu.memref_slice %arg7[%dma_start3A_47, %dma_start3A_53] : memref<80x128xi32, #tpu.memory_space<vmem>> -> memref<1x128xi32, #tpu.memory_space<vmem>>
    %dma_start3A_55 = tpu.memref_squeeze %dma_start3A_54 : memref<1x128xi32, #tpu.memory_space<vmem>> -> memref<128xi32, #tpu.memory_space<vmem>>
    %dma_start3A_56 = arith.constant 0 : i32
    %dma_start3A_57 = arith.constant 0 : i32
    %dma_start3A_58 = tpu.memref_slice %arg11[%dma_start3A_56, %dma_start3A_57] : memref<10240x64xf32, #tpu.memory_space<vmem_shared>> -> memref<10240x64xf32, #tpu.memory_space<vmem_shared>>
    tpu.enqueue_indirect_dma source(%dma_start3A_58 : memref<10240x64xf32, #tpu.memory_space<vmem_shared>>) target(%dma_start3A_52 : memref<128x64xf32, #tpu.memory_space<vmem>>) offsets(%dma_start3A_55 : memref<128xi32, #tpu.memory_space<vmem>>) semaphore(%arg12 : memref<!tpu.dma_semaphore, #tpu.memory_space<semaphore_mem>>)
    %dma_start3A_59 = arith.constant 1 : i32
    %dma_start3A_60 = arith.constant 1 : i32
    %dma_start3A_61 = arith.constant 0 : i32
    %dma_start3A_62 = arith.constant 0 : i32
    %dma_start3A_63 = tpu.memref_slice %arg9[%dma_start3A_60, %dma_start3A_61, %dma_start3A_62] : memref<2x128x64xf32, #tpu.memory_space<vmem>> -> memref<1x128x64xf32, #tpu.memory_space<vmem>>
    %dma_start3A_64 = tpu.memref_squeeze %dma_start3A_63 : memref<1x128x64xf32, #tpu.memory_space<vmem>> -> memref<128x64xf32, #tpu.memory_space<vmem>>
    %dma_start3A_65 = arith.constant 0 : i32
    %dma_start3A_66 = tpu.memref_slice %arg7[%dma_start3A_59, %dma_start3A_65] : memref<80x128xi32, #tpu.memory_space<vmem>> -> memref<1x128xi32, #tpu.memory_space<vmem>>
    %dma_start3A_67 = tpu.memref_squeeze %dma_start3A_66 : memref<1x128xi32, #tpu.memory_space<vmem>> -> memref<128xi32, #tpu.memory_space<vmem>>
    %dma_start3A_68 = arith.constant 0 : i32
    %dma_start3A_69 = arith.constant 0 : i32
    %dma_start3A_70 = tpu.memref_slice %arg11[%dma_start3A_68, %dma_start3A_69] : memref<10240x64xf32, #tpu.memory_space<vmem_shared>> -> memref<10240x64xf32, #tpu.memory_space<vmem_shared>>
    tpu.enqueue_indirect_dma source(%dma_start3A_70 : memref<10240x64xf32, #tpu.memory_space<vmem_shared>>) target(%dma_start3A_64 : memref<128x64xf32, #tpu.memory_space<vmem>>) offsets(%dma_start3A_67 : memref<128xi32, #tpu.memory_space<vmem>>) semaphore(%arg13 : memref<!tpu.dma_semaphore, #tpu.memory_space<semaphore_mem>>)
    %scan3A = arith.constant 0 : i32
    %scan3A_71 = arith.constant 0 : i32
    %scan3A_72 = arith.constant 39 : i32
    %scan3A_73 = arith.addi %scan3A_71, %scan3A_72 : i32
    %scan3A_74 = arith.constant 1 : i32
    scf.for %scan3A_153 = %scan3A_71 to %scan3A_73 step %scan3A_74  : i32 {
      %mul3A_154 = arith.constant 2 : i32
      %mul3A_155 = arith.muli %scan3A_153, %mul3A_154 : i32
      %add3A_156 = arith.constant 0 : i32
      %add3A_157 = arith.addi %mul3A_155, %add3A_156 : i32
      %dma_wait3A_158 = arith.constant 0 : i32
      %dma_wait3A_159 = arith.constant 0 : i32
      %dma_wait3A_160 = arith.constant 0 : i32
      %dma_wait3A_161 = arith.constant 0 : i32
      %dma_wait3A_162 = tpu.memref_slice %arg9[%dma_wait3A_159, %dma_wait3A_160, %dma_wait3A_161] : memref<2x128x64xf32, #tpu.memory_space<vmem>> -> memref<1x128x64xf32, #tpu.memory_space<vmem>>
      %dma_wait3A_163 = tpu.memref_squeeze %dma_wait3A_162 : memref<1x128x64xf32, #tpu.memory_space<vmem>> -> memref<128x64xf32, #tpu.memory_space<vmem>>
      %dma_wait3A_164 = arith.constant 0 : i32
      %dma_wait3A_165 = tpu.memref_slice %arg7[%dma_wait3A_158, %dma_wait3A_164] : memref<80x128xi32, #tpu.memory_space<vmem>> -> memref<1x128xi32, #tpu.memory_space<vmem>>
      %dma_wait3A_166 = tpu.memref_squeeze %dma_wait3A_165 : memref<1x128xi32, #tpu.memory_space<vmem>> -> memref<128xi32, #tpu.memory_space<vmem>>
      %dma_wait3A_167 = arith.constant 0 : i32
      %dma_wait3A_168 = arith.constant 0 : i32
      %dma_wait3A_169 = tpu.memref_slice %arg11[%dma_wait3A_167, %dma_wait3A_168] : memref<10240x64xf32, #tpu.memory_space<vmem_shared>> -> memref<10240x64xf32, #tpu.memory_space<vmem_shared>>
      tpu.wait_indirect_dma semaphore(%arg12 : memref<!tpu.dma_semaphore, #tpu.memory_space<semaphore_mem>>) src(%dma_wait3A_169 : memref<10240x64xf32, #tpu.memory_space<vmem_shared>>) dst(%dma_wait3A_163 : memref<128x64xf32, #tpu.memory_space<vmem>>)
      %dma_start3A_170 = arith.constant 0 : i32
      %dma_start3A_171 = arith.constant 0 : i32
      %dma_start3A_172 = arith.constant 0 : i32
      %dma_start3A_173 = tpu.memref_slice %arg9[%dma_start3A_170, %dma_start3A_171, %dma_start3A_172] : memref<2x128x64xf32, #tpu.memory_space<vmem>> -> memref<1x128x64xf32, #tpu.memory_space<vmem>>
      %dma_start3A_174 = tpu.memref_squeeze %dma_start3A_173 : memref<1x128x64xf32, #tpu.memory_space<vmem>> -> memref<128x64xf32, #tpu.memory_space<vmem>>
      %dma_start3A_175 = arith.constant 0 : i32
      %dma_start3A_176 = tpu.memref_slice %arg8[%add3A_157, %dma_start3A_175] : memref<80x128xi32, #tpu.memory_space<vmem>> -> memref<1x128xi32, #tpu.memory_space<vmem>>
      %dma_start3A_177 = tpu.memref_squeeze %dma_start3A_176 : memref<1x128xi32, #tpu.memory_space<vmem>> -> memref<128xi32, #tpu.memory_space<vmem>>
      %dma_start3A_178 = arith.constant 0 : i32
      %dma_start3A_179 = arith.constant 0 : i32
      %dma_start3A_180 = tpu.memref_slice %arg10[%dma_start3A_178, %dma_start3A_179] : memref<10240x64xf32, #tpu.memory_space<vmem_shared>> -> memref<10240x64xf32, #tpu.memory_space<vmem_shared>>
      tpu.enqueue_indirect_dma source(%dma_start3A_174 : memref<128x64xf32, #tpu.memory_space<vmem>>) target(%dma_start3A_180 : memref<10240x64xf32, #tpu.memory_space<vmem_shared>>) offsets(%dma_start3A_177 : memref<128xi32, #tpu.memory_space<vmem>>) semaphore(%arg14 : memref<!tpu.dma_semaphore, #tpu.memory_space<semaphore_mem>>) {add = true}
      %mul3A_181 = arith.constant 2 : i32
      %mul3A_182 = arith.muli %scan3A_153, %mul3A_181 : i32
      %add3A_183 = arith.constant 1 : i32
      %add3A_184 = arith.addi %mul3A_182, %add3A_183 : i32
      %dma_wait3A_185 = arith.constant 0 : i32
      %dma_wait3A_186 = arith.constant 1 : i32
      %dma_wait3A_187 = arith.constant 0 : i32
      %dma_wait3A_188 = arith.constant 0 : i32
      %dma_wait3A_189 = tpu.memref_slice %arg9[%dma_wait3A_186, %dma_wait3A_187, %dma_wait3A_188] : memref<2x128x64xf32, #tpu.memory_space<vmem>> -> memref<1x128x64xf32, #tpu.memory_space<vmem>>
      %dma_wait3A_190 = tpu.memref_squeeze %dma_wait3A_189 : memref<1x128x64xf32, #tpu.memory_space<vmem>> -> memref<128x64xf32, #tpu.memory_space<vmem>>
      %dma_wait3A_191 = arith.constant 0 : i32
      %dma_wait3A_192 = tpu.memref_slice %arg7[%dma_wait3A_185, %dma_wait3A_191] : memref<80x128xi32, #tpu.memory_space<vmem>> -> memref<1x128xi32, #tpu.memory_space<vmem>>
      %dma_wait3A_193 = tpu.memref_squeeze %dma_wait3A_192 : memref<1x128xi32, #tpu.memory_space<vmem>> -> memref<128xi32, #tpu.memory_space<vmem>>
      %dma_wait3A_194 = arith.constant 0 : i32
      %dma_wait3A_195 = arith.constant 0 : i32
      %dma_wait3A_196 = tpu.memref_slice %arg11[%dma_wait3A_194, %dma_wait3A_195] : memref<10240x64xf32, #tpu.memory_space<vmem_shared>> -> memref<10240x64xf32, #tpu.memory_space<vmem_shared>>
      tpu.wait_indirect_dma semaphore(%arg13 : memref<!tpu.dma_semaphore, #tpu.memory_space<semaphore_mem>>) src(%dma_wait3A_196 : memref<10240x64xf32, #tpu.memory_space<vmem_shared>>) dst(%dma_wait3A_190 : memref<128x64xf32, #tpu.memory_space<vmem>>)
      %dma_start3A_197 = arith.constant 1 : i32
      %dma_start3A_198 = arith.constant 0 : i32
      %dma_start3A_199 = arith.constant 0 : i32
      %dma_start3A_200 = tpu.memref_slice %arg9[%dma_start3A_197, %dma_start3A_198, %dma_start3A_199] : memref<2x128x64xf32, #tpu.memory_space<vmem>> -> memref<1x128x64xf32, #tpu.memory_space<vmem>>
      %dma_start3A_201 = tpu.memref_squeeze %dma_start3A_200 : memref<1x128x64xf32, #tpu.memory_space<vmem>> -> memref<128x64xf32, #tpu.memory_space<vmem>>
      %dma_start3A_202 = arith.constant 0 : i32
      %dma_start3A_203 = tpu.memref_slice %arg8[%add3A_184, %dma_start3A_202] : memref<80x128xi32, #tpu.memory_space<vmem>> -> memref<1x128xi32, #tpu.memory_space<vmem>>
      %dma_start3A_204 = tpu.memref_squeeze %dma_start3A_203 : memref<1x128xi32, #tpu.memory_space<vmem>> -> memref<128xi32, #tpu.memory_space<vmem>>
      %dma_start3A_205 = arith.constant 0 : i32
      %dma_start3A_206 = arith.constant 0 : i32
      %dma_start3A_207 = tpu.memref_slice %arg10[%dma_start3A_205, %dma_start3A_206] : memref<10240x64xf32, #tpu.memory_space<vmem_shared>> -> memref<10240x64xf32, #tpu.memory_space<vmem_shared>>
      tpu.enqueue_indirect_dma source(%dma_start3A_201 : memref<128x64xf32, #tpu.memory_space<vmem>>) target(%dma_start3A_207 : memref<10240x64xf32, #tpu.memory_space<vmem_shared>>) offsets(%dma_start3A_204 : memref<128xi32, #tpu.memory_space<vmem>>) semaphore(%arg15 : memref<!tpu.dma_semaphore, #tpu.memory_space<semaphore_mem>>) {add = true}
      %add3A_208 = arith.constant 1 : i32
      %add3A_209 = arith.addi %scan3A_153, %add3A_208 : i32
      %mul3A_210 = arith.constant 2 : i32
      %mul3A_211 = arith.muli %add3A_209, %mul3A_210 : i32
      %add3A_212 = arith.constant 0 : i32
      %add3A_213 = arith.addi %mul3A_211, %add3A_212 : i32
      %dma_wait3A_214 = arith.constant 0 : i32
      %dma_wait3A_215 = arith.constant 0 : i32
      %dma_wait3A_216 = arith.constant 0 : i32
      %dma_wait3A_217 = arith.constant 0 : i32
      %dma_wait3A_218 = tpu.memref_slice %arg9[%dma_wait3A_214, %dma_wait3A_216, %dma_wait3A_217] : memref<2x128x64xf32, #tpu.memory_space<vmem>> -> memref<1x128x64xf32, #tpu.memory_space<vmem>>
      %dma_wait3A_219 = tpu.memref_squeeze %dma_wait3A_218 : memref<1x128x64xf32, #tpu.memory_space<vmem>> -> memref<128x64xf32, #tpu.memory_space<vmem>>
      %dma_wait3A_220 = arith.constant 0 : i32
      %dma_wait3A_221 = tpu.memref_slice %arg8[%dma_wait3A_215, %dma_wait3A_220] : memref<80x128xi32, #tpu.memory_space<vmem>> -> memref<1x128xi32, #tpu.memory_space<vmem>>
      %dma_wait3A_222 = tpu.memref_squeeze %dma_wait3A_221 : memref<1x128xi32, #tpu.memory_space<vmem>> -> memref<128xi32, #tpu.memory_space<vmem>>
      %dma_wait3A_223 = arith.constant 0 : i32
      %dma_wait3A_224 = arith.constant 0 : i32
      %dma_wait3A_225 = tpu.memref_slice %arg10[%dma_wait3A_223, %dma_wait3A_224] : memref<10240x64xf32, #tpu.memory_space<vmem_shared>> -> memref<10240x64xf32, #tpu.memory_space<vmem_shared>>
      tpu.wait_indirect_dma semaphore(%arg14 : memref<!tpu.dma_semaphore, #tpu.memory_space<semaphore_mem>>) src(%dma_wait3A_219 : memref<128x64xf32, #tpu.memory_space<vmem>>) dst(%dma_wait3A_225 : memref<10240x64xf32, #tpu.memory_space<vmem_shared>>)
      %dma_start3A_226 = arith.constant 0 : i32
      %dma_start3A_227 = arith.constant 0 : i32
      %dma_start3A_228 = arith.constant 0 : i32
      %dma_start3A_229 = tpu.memref_slice %arg9[%dma_start3A_226, %dma_start3A_227, %dma_start3A_228] : memref<2x128x64xf32, #tpu.memory_space<vmem>> -> memref<1x128x64xf32, #tpu.memory_space<vmem>>
      %dma_start3A_230 = tpu.memref_squeeze %dma_start3A_229 : memref<1x128x64xf32, #tpu.memory_space<vmem>> -> memref<128x64xf32, #tpu.memory_space<vmem>>
      %dma_start3A_231 = arith.constant 0 : i32
      %dma_start3A_232 = tpu.memref_slice %arg7[%add3A_213, %dma_start3A_231] : memref<80x128xi32, #tpu.memory_space<vmem>> -> memref<1x128xi32, #tpu.memory_space<vmem>>
      %dma_start3A_233 = tpu.memref_squeeze %dma_start3A_232 : memref<1x128xi32, #tpu.memory_space<vmem>> -> memref<128xi32, #tpu.memory_space<vmem>>
      %dma_start3A_234 = arith.constant 0 : i32
      %dma_start3A_235 = arith.constant 0 : i32
      %dma_start3A_236 = tpu.memref_slice %arg11[%dma_start3A_234, %dma_start3A_235] : memref<10240x64xf32, #tpu.memory_space<vmem_shared>> -> memref<10240x64xf32, #tpu.memory_space<vmem_shared>>
      tpu.enqueue_indirect_dma source(%dma_start3A_236 : memref<10240x64xf32, #tpu.memory_space<vmem_shared>>) target(%dma_start3A_230 : memref<128x64xf32, #tpu.memory_space<vmem>>) offsets(%dma_start3A_233 : memref<128xi32, #tpu.memory_space<vmem>>) semaphore(%arg12 : memref<!tpu.dma_semaphore, #tpu.memory_space<semaphore_mem>>)
      %add3A_237 = arith.constant 1 : i32
      %add3A_238 = arith.addi %scan3A_153, %add3A_237 : i32
      %mul3A_239 = arith.constant 2 : i32
      %mul3A_240 = arith.muli %add3A_238, %mul3A_239 : i32
      %add3A_241 = arith.constant 1 : i32
      %add3A_242 = arith.addi %mul3A_240, %add3A_241 : i32
      %dma_wait3A_243 = arith.constant 1 : i32
      %dma_wait3A_244 = arith.constant 0 : i32
      %dma_wait3A_245 = arith.constant 0 : i32
      %dma_wait3A_246 = arith.constant 0 : i32
      %dma_wait3A_247 = tpu.memref_slice %arg9[%dma_wait3A_243, %dma_wait3A_245, %dma_wait3A_246] : memref<2x128x64xf32, #tpu.memory_space<vmem>> -> memref<1x128x64xf32, #tpu.memory_space<vmem>>
      %dma_wait3A_248 = tpu.memref_squeeze %dma_wait3A_247 : memref<1x128x64xf32, #tpu.memory_space<vmem>> -> memref<128x64xf32, #tpu.memory_space<vmem>>
      %dma_wait3A_249 = arith.constant 0 : i32
      %dma_wait3A_250 = tpu.memref_slice %arg8[%dma_wait3A_244, %dma_wait3A_249] : memref<80x128xi32, #tpu.memory_space<vmem>> -> memref<1x128xi32, #tpu.memory_space<vmem>>
      %dma_wait3A_251 = tpu.memref_squeeze %dma_wait3A_250 : memref<1x128xi32, #tpu.memory_space<vmem>> -> memref<128xi32, #tpu.memory_space<vmem>>
      %dma_wait3A_252 = arith.constant 0 : i32
      %dma_wait3A_253 = arith.constant 0 : i32
      %dma_wait3A_254 = tpu.memref_slice %arg10[%dma_wait3A_252, %dma_wait3A_253] : memref<10240x64xf32, #tpu.memory_space<vmem_shared>> -> memref<10240x64xf32, #tpu.memory_space<vmem_shared>>
      tpu.wait_indirect_dma semaphore(%arg15 : memref<!tpu.dma_semaphore, #tpu.memory_space<semaphore_mem>>) src(%dma_wait3A_248 : memref<128x64xf32, #tpu.memory_space<vmem>>) dst(%dma_wait3A_254 : memref<10240x64xf32, #tpu.memory_space<vmem_shared>>)
      %dma_start3A_255 = arith.constant 1 : i32
      %dma_start3A_256 = arith.constant 0 : i32
      %dma_start3A_257 = arith.constant 0 : i32
      %dma_start3A_258 = tpu.memref_slice %arg9[%dma_start3A_255, %dma_start3A_256, %dma_start3A_257] : memref<2x128x64xf32, #tpu.memory_space<vmem>> -> memref<1x128x64xf32, #tpu.memory_space<vmem>>
      %dma_start3A_259 = tpu.memref_squeeze %dma_start3A_258 : memref<1x128x64xf32, #tpu.memory_space<vmem>> -> memref<128x64xf32, #tpu.memory_space<vmem>>
      %dma_start3A_260 = arith.constant 0 : i32
      %dma_start3A_261 = tpu.memref_slice %arg7[%add3A_242, %dma_start3A_260] : memref<80x128xi32, #tpu.memory_space<vmem>> -> memref<1x128xi32, #tpu.memory_space<vmem>>
      %dma_start3A_262 = tpu.memref_squeeze %dma_start3A_261 : memref<1x128xi32, #tpu.memory_space<vmem>> -> memref<128xi32, #tpu.memory_space<vmem>>
      %dma_start3A_263 = arith.constant 0 : i32
      %dma_start3A_264 = arith.constant 0 : i32
      %dma_start3A_265 = tpu.memref_slice %arg11[%dma_start3A_263, %dma_start3A_264] : memref<10240x64xf32, #tpu.memory_space<vmem_shared>> -> memref<10240x64xf32, #tpu.memory_space<vmem_shared>>
      tpu.enqueue_indirect_dma source(%dma_start3A_265 : memref<10240x64xf32, #tpu.memory_space<vmem_shared>>) target(%dma_start3A_259 : memref<128x64xf32, #tpu.memory_space<vmem>>) offsets(%dma_start3A_262 : memref<128xi32, #tpu.memory_space<vmem>>) semaphore(%arg13 : memref<!tpu.dma_semaphore, #tpu.memory_space<semaphore_mem>>)
    }
    %scan3A_75 = arith.constant 39 : i32
    %dma_wait3A_76 = arith.constant 0 : i32
    %dma_wait3A_77 = arith.constant 0 : i32
    %dma_wait3A_78 = arith.constant 0 : i32
    %dma_wait3A_79 = arith.constant 0 : i32
    %dma_wait3A_80 = tpu.memref_slice %arg9[%dma_wait3A_77, %dma_wait3A_78, %dma_wait3A_79] : memref<2x128x64xf32, #tpu.memory_space<vmem>> -> memref<1x128x64xf32, #tpu.memory_space<vmem>>
    %dma_wait3A_81 = tpu.memref_squeeze %dma_wait3A_80 : memref<1x128x64xf32, #tpu.memory_space<vmem>> -> memref<128x64xf32, #tpu.memory_space<vmem>>
    %dma_wait3A_82 = arith.constant 0 : i32
    %dma_wait3A_83 = tpu.memref_slice %arg7[%dma_wait3A_76, %dma_wait3A_82] : memref<80x128xi32, #tpu.memory_space<vmem>> -> memref<1x128xi32, #tpu.memory_space<vmem>>
    %dma_wait3A_84 = tpu.memref_squeeze %dma_wait3A_83 : memref<1x128xi32, #tpu.memory_space<vmem>> -> memref<128xi32, #tpu.memory_space<vmem>>
    %dma_wait3A_85 = arith.constant 0 : i32
    %dma_wait3A_86 = arith.constant 0 : i32
    %dma_wait3A_87 = tpu.memref_slice %arg11[%dma_wait3A_85, %dma_wait3A_86] : memref<10240x64xf32, #tpu.memory_space<vmem_shared>> -> memref<10240x64xf32, #tpu.memory_space<vmem_shared>>
    tpu.wait_indirect_dma semaphore(%arg12 : memref<!tpu.dma_semaphore, #tpu.memory_space<semaphore_mem>>) src(%dma_wait3A_87 : memref<10240x64xf32, #tpu.memory_space<vmem_shared>>) dst(%dma_wait3A_81 : memref<128x64xf32, #tpu.memory_space<vmem>>)
    %dma_start3A_88 = arith.constant 0 : i32
    %dma_start3A_89 = arith.constant 78 : i32
    %dma_start3A_90 = arith.constant 0 : i32
    %dma_start3A_91 = arith.constant 0 : i32
    %dma_start3A_92 = tpu.memref_slice %arg9[%dma_start3A_88, %dma_start3A_90, %dma_start3A_91] : memref<2x128x64xf32, #tpu.memory_space<vmem>> -> memref<1x128x64xf32, #tpu.memory_space<vmem>>
    %dma_start3A_93 = tpu.memref_squeeze %dma_start3A_92 : memref<1x128x64xf32, #tpu.memory_space<vmem>> -> memref<128x64xf32, #tpu.memory_space<vmem>>
    %dma_start3A_94 = arith.constant 0 : i32
    %dma_start3A_95 = tpu.memref_slice %arg8[%dma_start3A_89, %dma_start3A_94] : memref<80x128xi32, #tpu.memory_space<vmem>> -> memref<1x128xi32, #tpu.memory_space<vmem>>
    %dma_start3A_96 = tpu.memref_squeeze %dma_start3A_95 : memref<1x128xi32, #tpu.memory_space<vmem>> -> memref<128xi32, #tpu.memory_space<vmem>>
    %dma_start3A_97 = arith.constant 0 : i32
    %dma_start3A_98 = arith.constant 0 : i32
    %dma_start3A_99 = tpu.memref_slice %arg10[%dma_start3A_97, %dma_start3A_98] : memref<10240x64xf32, #tpu.memory_space<vmem_shared>> -> memref<10240x64xf32, #tpu.memory_space<vmem_shared>>
    tpu.enqueue_indirect_dma source(%dma_start3A_93 : memref<128x64xf32, #tpu.memory_space<vmem>>) target(%dma_start3A_99 : memref<10240x64xf32, #tpu.memory_space<vmem_shared>>) offsets(%dma_start3A_96 : memref<128xi32, #tpu.memory_space<vmem>>) semaphore(%arg14 : memref<!tpu.dma_semaphore, #tpu.memory_space<semaphore_mem>>) {add = true}
    %dma_wait3A_100 = arith.constant 0 : i32
    %dma_wait3A_101 = arith.constant 1 : i32
    %dma_wait3A_102 = arith.constant 0 : i32
    %dma_wait3A_103 = arith.constant 0 : i32
    %dma_wait3A_104 = tpu.memref_slice %arg9[%dma_wait3A_101, %dma_wait3A_102, %dma_wait3A_103] : memref<2x128x64xf32, #tpu.memory_space<vmem>> -> memref<1x128x64xf32, #tpu.memory_space<vmem>>
    %dma_wait3A_105 = tpu.memref_squeeze %dma_wait3A_104 : memref<1x128x64xf32, #tpu.memory_space<vmem>> -> memref<128x64xf32, #tpu.memory_space<vmem>>
    %dma_wait3A_106 = arith.constant 0 : i32
    %dma_wait3A_107 = tpu.memref_slice %arg7[%dma_wait3A_100, %dma_wait3A_106] : memref<80x128xi32, #tpu.memory_space<vmem>> -> memref<1x128xi32, #tpu.memory_space<vmem>>
    %dma_wait3A_108 = tpu.memref_squeeze %dma_wait3A_107 : memref<1x128xi32, #tpu.memory_space<vmem>> -> memref<128xi32, #tpu.memory_space<vmem>>
    %dma_wait3A_109 = arith.constant 0 : i32
    %dma_wait3A_110 = arith.constant 0 : i32
    %dma_wait3A_111 = tpu.memref_slice %arg11[%dma_wait3A_109, %dma_wait3A_110] : memref<10240x64xf32, #tpu.memory_space<vmem_shared>> -> memref<10240x64xf32, #tpu.memory_space<vmem_shared>>
    tpu.wait_indirect_dma semaphore(%arg13 : memref<!tpu.dma_semaphore, #tpu.memory_space<semaphore_mem>>) src(%dma_wait3A_111 : memref<10240x64xf32, #tpu.memory_space<vmem_shared>>) dst(%dma_wait3A_105 : memref<128x64xf32, #tpu.memory_space<vmem>>)
    %dma_start3A_112 = arith.constant 1 : i32
    %dma_start3A_113 = arith.constant 79 : i32
    %dma_start3A_114 = arith.constant 0 : i32
    %dma_start3A_115 = arith.constant 0 : i32
    %dma_start3A_116 = tpu.memref_slice %arg9[%dma_start3A_112, %dma_start3A_114, %dma_start3A_115] : memref<2x128x64xf32, #tpu.memory_space<vmem>> -> memref<1x128x64xf32, #tpu.memory_space<vmem>>
    %dma_start3A_117 = tpu.memref_squeeze %dma_start3A_116 : memref<1x128x64xf32, #tpu.memory_space<vmem>> -> memref<128x64xf32, #tpu.memory_space<vmem>>
    %dma_start3A_118 = arith.constant 0 : i32
    %dma_start3A_119 = tpu.memref_slice %arg8[%dma_start3A_113, %dma_start3A_118] : memref<80x128xi32, #tpu.memory_space<vmem>> -> memref<1x128xi32, #tpu.memory_space<vmem>>
    %dma_start3A_120 = tpu.memref_squeeze %dma_start3A_119 : memref<1x128xi32, #tpu.memory_space<vmem>> -> memref<128xi32, #tpu.memory_space<vmem>>
    %dma_start3A_121 = arith.constant 0 : i32
    %dma_start3A_122 = arith.constant 0 : i32
    %dma_start3A_123 = tpu.memref_slice %arg10[%dma_start3A_121, %dma_start3A_122] : memref<10240x64xf32, #tpu.memory_space<vmem_shared>> -> memref<10240x64xf32, #tpu.memory_space<vmem_shared>>
    tpu.enqueue_indirect_dma source(%dma_start3A_117 : memref<128x64xf32, #tpu.memory_space<vmem>>) target(%dma_start3A_123 : memref<10240x64xf32, #tpu.memory_space<vmem_shared>>) offsets(%dma_start3A_120 : memref<128xi32, #tpu.memory_space<vmem>>) semaphore(%arg15 : memref<!tpu.dma_semaphore, #tpu.memory_space<semaphore_mem>>) {add = true}
    %dma_wait3A_124 = arith.constant 0 : i32
    %dma_wait3A_125 = arith.constant 0 : i32
    %dma_wait3A_126 = arith.constant 0 : i32
    %dma_wait3A_127 = arith.constant 0 : i32
    %dma_wait3A_128 = tpu.memref_slice %arg9[%dma_wait3A_124, %dma_wait3A_126, %dma_wait3A_127] : memref<2x128x64xf32, #tpu.memory_space<vmem>> -> memref<1x128x64xf32, #tpu.memory_space<vmem>>
    %dma_wait3A_129 = tpu.memref_squeeze %dma_wait3A_128 : memref<1x128x64xf32, #tpu.memory_space<vmem>> -> memref<128x64xf32, #tpu.memory_space<vmem>>
    %dma_wait3A_130 = arith.constant 0 : i32
    %dma_wait3A_131 = tpu.memref_slice %arg8[%dma_wait3A_125, %dma_wait3A_130] : memref<80x128xi32, #tpu.memory_space<vmem>> -> memref<1x128xi32, #tpu.memory_space<vmem>>
    %dma_wait3A_132 = tpu.memref_squeeze %dma_wait3A_131 : memref<1x128xi32, #tpu.memory_space<vmem>> -> memref<128xi32, #tpu.memory_space<vmem>>
    %dma_wait3A_133 = arith.constant 0 : i32
    %dma_wait3A_134 = arith.constant 0 : i32
    %dma_wait3A_135 = tpu.memref_slice %arg10[%dma_wait3A_133, %dma_wait3A_134] : memref<10240x64xf32, #tpu.memory_space<vmem_shared>> -> memref<10240x64xf32, #tpu.memory_space<vmem_shared>>
    tpu.wait_indirect_dma semaphore(%arg14 : memref<!tpu.dma_semaphore, #tpu.memory_space<semaphore_mem>>) src(%dma_wait3A_129 : memref<128x64xf32, #tpu.memory_space<vmem>>) dst(%dma_wait3A_135 : memref<10240x64xf32, #tpu.memory_space<vmem_shared>>)
    %dma_wait3A_136 = arith.constant 1 : i32
    %dma_wait3A_137 = arith.constant 0 : i32
    %dma_wait3A_138 = arith.constant 0 : i32
    %dma_wait3A_139 = arith.constant 0 : i32
    %dma_wait3A_140 = tpu.memref_slice %arg9[%dma_wait3A_136, %dma_wait3A_138, %dma_wait3A_139] : memref<2x128x64xf32, #tpu.memory_space<vmem>> -> memref<1x128x64xf32, #tpu.memory_space<vmem>>
    %dma_wait3A_141 = tpu.memref_squeeze %dma_wait3A_140 : memref<1x128x64xf32, #tpu.memory_space<vmem>> -> memref<128x64xf32, #tpu.memory_space<vmem>>
    %dma_wait3A_142 = arith.constant 0 : i32
    %dma_wait3A_143 = tpu.memref_slice %arg8[%dma_wait3A_137, %dma_wait3A_142] : memref<80x128xi32, #tpu.memory_space<vmem>> -> memref<1x128xi32, #tpu.memory_space<vmem>>
    %dma_wait3A_144 = tpu.memref_squeeze %dma_wait3A_143 : memref<1x128xi32, #tpu.memory_space<vmem>> -> memref<128xi32, #tpu.memory_space<vmem>>
    %dma_wait3A_145 = arith.constant 0 : i32
    %dma_wait3A_146 = arith.constant 0 : i32
    %dma_wait3A_147 = tpu.memref_slice %arg10[%dma_wait3A_145, %dma_wait3A_146] : memref<10240x64xf32, #tpu.memory_space<vmem_shared>> -> memref<10240x64xf32, #tpu.memory_space<vmem_shared>>
    tpu.wait_indirect_dma semaphore(%arg15 : memref<!tpu.dma_semaphore, #tpu.memory_space<semaphore_mem>>) src(%dma_wait3A_141 : memref<128x64xf32, #tpu.memory_space<vmem>>) dst(%dma_wait3A_147 : memref<10240x64xf32, #tpu.memory_space<vmem_shared>>)
    %barrier3A_148 = arith.constant 0 : index
    tpu.barrier barrier_id(%barrier3A_148)
    %mul3A_149 = arith.constant 640 : i32
    %mul3A_150 = arith.muli %arg1, %mul3A_149 : i32
    %mul3A_151 = arith.constant 640 : i32
    %mul3A_152 = arith.muli %arg1, %mul3A_151 : i32
    "tpu.region"() ({
      %run_scoped3A = tpu.sem_alloc : memref<!tpu.dma_semaphore, #tpu.memory_space<semaphore_mem>>
      %dma_start3A_153 = arith.constant 0 : i32
      %dma_start3A_154 = tpu.memref_slice %arg6[%arg0, %mul3A_152, %dma_start3A_153] : memref<2x10240x64xf32, #tpu.memory_space<hbm>> -> memref<1x640x64xf32, #tpu.memory_space<hbm>>
      %dma_start3A_155 = tpu.memref_squeeze %dma_start3A_154 : memref<1x640x64xf32, #tpu.memory_space<hbm>> -> memref<640x64xf32, #tpu.memory_space<hbm>>
      %dma_start3A_156 = arith.constant 0 : i32
      %dma_start3A_157 = tpu.memref_slice %arg10[%mul3A_150, %dma_start3A_156] : memref<10240x64xf32, #tpu.memory_space<vmem_shared>> -> memref<640x64xf32, #tpu.memory_space<vmem_shared>>
      tpu.enqueue_dma source(%dma_start3A_157 : memref<640x64xf32, #tpu.memory_space<vmem_shared>>) target(%dma_start3A_155 : memref<640x64xf32, #tpu.memory_space<hbm>>) target_semaphore(%run_scoped3A : memref<!tpu.dma_semaphore, #tpu.memory_space<semaphore_mem>>)
      %dma_wait3A_158 = arith.constant 0 : i32
      %dma_wait3A_159 = tpu.memref_slice %arg6[%arg0, %mul3A_152, %dma_wait3A_158] : memref<2x10240x64xf32, #tpu.memory_space<hbm>> -> memref<1x640x64xf32, #tpu.memory_space<hbm>>
      %dma_wait3A_160 = tpu.memref_squeeze %dma_wait3A_159 : memref<1x640x64xf32, #tpu.memory_space<hbm>> -> memref<640x64xf32, #tpu.memory_space<hbm>>
      %dma_wait3A_161 = arith.constant 0 : i32
      %dma_wait3A_162 = tpu.memref_slice %arg10[%mul3A_150, %dma_wait3A_161] : memref<10240x64xf32, #tpu.memory_space<vmem_shared>> -> memref<640x64xf32, #tpu.memory_space<vmem_shared>>
      tpu.wait_dma2 semaphore(%run_scoped3A : memref<!tpu.dma_semaphore, #tpu.memory_space<semaphore_mem>>) src(%dma_wait3A_162 : memref<640x64xf32, #tpu.memory_space<vmem_shared>>) dst(%dma_wait3A_160 : memref<640x64xf32, #tpu.memory_space<hbm>>)
      tpu.yield
    }) : () -> ()
    return
  }
}

module attributes {stable_mosaic.version = 14 : i64} {
  func.func @_tc0_body(%arg0: memref<10000x128xf32, #tpu.memory_space<vmem>>, %arg1: memref<128x64xf32, #tpu.memory_space<vmem>>, %arg2: memref<128x64xf32, #tpu.memory_space<vmem>>, %arg3: memref<10000x64xf32, #tpu.memory_space<vmem>>, %arg4: memref<10000x64xf32, #tpu.memory_space<vmem>>) attributes {dimension_semantics = [], scalar_prefetch = 0 : i64, scratch_operands = 0 : i64, tpu.core_type = #tpu.core_type<tc>} {
    %get3A = arith.constant 0 : index
    %get3A_0 = arith.constant 0 : index
    %get3A_1 = vector.load %arg0[%get3A, %get3A_0] : memref<10000x128xf32, #tpu.memory_space<vmem>>, vector<10000x128xf32>
    %get3A_2 = arith.constant 0 : index
    %get3A_3 = arith.constant 0 : index
    %get3A_4 = vector.load %arg1[%get3A_2, %get3A_3] : memref<128x64xf32, #tpu.memory_space<vmem>>, vector<128x64xf32>
    %dot_general3A = arith.constant dense<0.000000e+00> : vector<10000x64xf32>
    %dot_general3A_5 = tpu.matmul %get3A_1, %get3A_4, %dot_general3A {dimension_numbers = #tpu.dot_dimension_numbers<[1], [0], [0], [1], [0, 0, 1, 1], [], []>, transpose_lhs_hint = false} : vector<10000x128xf32>, vector<128x64xf32>, vector<10000x64xf32> -> vector<10000x64xf32>
    %swap3A = arith.constant 0 : index
    %swap3A_6 = arith.constant 0 : index
    %swap3A_7 = vector.load %arg3[%swap3A, %swap3A_6] : memref<10000x64xf32, #tpu.memory_space<vmem>>, vector<10000x64xf32>
    tpu.vector_store %arg3[%swap3A, %swap3A_6], %dot_general3A_5 {strides = array<i32>} : memref<10000x64xf32, #tpu.memory_space<vmem>>, vector<10000x64xf32>,
    %get3A_8 = arith.constant 0 : index
    %get3A_9 = arith.constant 0 : index
    %get3A_10 = vector.load %arg0[%get3A_8, %get3A_9] : memref<10000x128xf32, #tpu.memory_space<vmem>>, vector<10000x128xf32>
    %get3A_11 = arith.constant 0 : index
    %get3A_12 = arith.constant 0 : index
    %get3A_13 = vector.load %arg2[%get3A_11, %get3A_12] : memref<128x64xf32, #tpu.memory_space<vmem>>, vector<128x64xf32>
    %dot_general3A_14 = arith.constant dense<0.000000e+00> : vector<10000x64xf32>
    %dot_general3A_15 = tpu.matmul %get3A_10, %get3A_13, %dot_general3A_14 {dimension_numbers = #tpu.dot_dimension_numbers<[1], [0], [0], [1], [0, 0, 1, 1], [], []>, transpose_lhs_hint = false} : vector<10000x128xf32>, vector<128x64xf32>, vector<10000x64xf32> -> vector<10000x64xf32>
    %swap3A_16 = arith.constant 0 : index
    %swap3A_17 = arith.constant 0 : index
    %swap3A_18 = vector.load %arg4[%swap3A_16, %swap3A_17] : memref<10000x64xf32, #tpu.memory_space<vmem>>, vector<10000x64xf32>
    tpu.vector_store %arg4[%swap3A_16, %swap3A_17], %dot_general3A_15 {strides = array<i32>} : memref<10000x64xf32, #tpu.memory_space<vmem>>, vector<10000x64xf32>,
    return
  }
}

module attributes {stable_mosaic.version = 14 : i64} {
  func.func @_tc2_body(%arg0: memref<10000x64xf32, #tpu.memory_space<vmem>>, %arg1: memref<64x64xf32, #tpu.memory_space<vmem>>, %arg2: memref<64x64xf32, #tpu.memory_space<vmem>>, %arg3: memref<10000x64xf32, #tpu.memory_space<vmem>>, %arg4: memref<10000x64xf32, #tpu.memory_space<vmem>>) attributes {dimension_semantics = [], scalar_prefetch = 0 : i64, scratch_operands = 0 : i64, tpu.core_type = #tpu.core_type<tc>} {
    %get3A = arith.constant 0 : index
    %get3A_0 = arith.constant 0 : index
    %get3A_1 = vector.load %arg0[%get3A, %get3A_0] : memref<10000x64xf32, #tpu.memory_space<vmem>>, vector<10000x64xf32>
    %max3A = arith.constant 0.000000e+00 : f32
    %max3A_2 = vector.broadcast %max3A : f32 to vector<10000x64xf32>
    %max3A_3 = arith.maximumf %get3A_1, %max3A_2 : vector<10000x64xf32>
    %get3A_4 = arith.constant 0 : index
    %get3A_5 = arith.constant 0 : index
    %get3A_6 = vector.load %arg1[%get3A_4, %get3A_5] : memref<64x64xf32, #tpu.memory_space<vmem>>, vector<64x64xf32>
    %dot_general3A = arith.constant dense<0.000000e+00> : vector<10000x64xf32>
    %dot_general3A_7 = tpu.matmul %max3A_3, %get3A_6, %dot_general3A {dimension_numbers = #tpu.dot_dimension_numbers<[1], [0], [0], [1], [0, 0, 1, 1], [], []>, transpose_lhs_hint = false} : vector<10000x64xf32>, vector<64x64xf32>, vector<10000x64xf32> -> vector<10000x64xf32>
    %swap3A = arith.constant 0 : index
    %swap3A_8 = arith.constant 0 : index
    %swap3A_9 = vector.load %arg3[%swap3A, %swap3A_8] : memref<10000x64xf32, #tpu.memory_space<vmem>>, vector<10000x64xf32>
    tpu.vector_store %arg3[%swap3A, %swap3A_8], %dot_general3A_7 {strides = array<i32>} : memref<10000x64xf32, #tpu.memory_space<vmem>>, vector<10000x64xf32>,
    %get3A_10 = arith.constant 0 : index
    %get3A_11 = arith.constant 0 : index
    %get3A_12 = vector.load %arg2[%get3A_10, %get3A_11] : memref<64x64xf32, #tpu.memory_space<vmem>>, vector<64x64xf32>
    %dot_general3A_13 = arith.constant dense<0.000000e+00> : vector<10000x64xf32>
    %dot_general3A_14 = tpu.matmul %max3A_3, %get3A_12, %dot_general3A_13 {dimension_numbers = #tpu.dot_dimension_numbers<[1], [0], [0], [1], [0, 0, 1, 1], [], []>, transpose_lhs_hint = false} : vector<10000x64xf32>, vector<64x64xf32>, vector<10000x64xf32> -> vector<10000x64xf32>
    %swap3A_15 = arith.constant 0 : index
    %swap3A_16 = arith.constant 0 : index
    %swap3A_17 = vector.load %arg4[%swap3A_15, %swap3A_16] : memref<10000x64xf32, #tpu.memory_space<vmem>>, vector<10000x64xf32>
    tpu.vector_store %arg4[%swap3A_15, %swap3A_16], %dot_general3A_14 {strides = array<i32>} : memref<10000x64xf32, #tpu.memory_space<vmem>>, vector<10000x64xf32>,
    return
  }
}

module attributes {stable_mosaic.version = 14 : i64} {
  func.func @_tc3_body(%arg0: memref<10000x64xf32, #tpu.memory_space<vmem>>, %arg1: memref<10000x64xf32, #tpu.memory_space<vmem>>) attributes {dimension_semantics = [], scalar_prefetch = 0 : i64, scratch_operands = 0 : i64, tpu.core_type = #tpu.core_type<tc>} {
    %get3A = arith.constant 0 : index
    %get3A_0 = arith.constant 0 : index
    %get3A_1 = vector.load %arg0[%get3A, %get3A_0] : memref<10000x64xf32, #tpu.memory_space<vmem>>, vector<10000x64xf32>
    %reduce_max3A = arith.constant dense<0xFF800000> : vector<10000xf32>
    %reduce_max3A_2 = vector.multi_reduction <maximumf>, %get3A_1, %reduce_max3A [1] : vector<10000x64xf32> to vector<10000xf32>
    %broadcast_in_dim3A = vector.shape_cast %reduce_max3A_2 : vector<10000xf32> to vector<10000x1xf32>
    %sub3A = vector.broadcast %broadcast_in_dim3A : vector<10000x1xf32> to vector<10000x64xf32>
    %sub3A_3 = arith.subf %get3A_1, %sub3A : vector<10000x64xf32>
    %exp3A = math.exp %sub3A_3 : vector<10000x64xf32>
    %reduce_sum3A = arith.constant dense<0.000000e+00> : vector<10000xf32>
    %reduce_sum3A_4 = vector.multi_reduction <add>, %exp3A, %reduce_sum3A [1] : vector<10000x64xf32> to vector<10000xf32>
    %broadcast_in_dim3A_5 = vector.shape_cast %reduce_sum3A_4 : vector<10000xf32> to vector<10000x1xf32>
    %log3A = math.log %broadcast_in_dim3A_5 : vector<10000x1xf32>
    %add3A = arith.addf %log3A, %broadcast_in_dim3A : vector<10000x1xf32>
    %sub3A_6 = vector.broadcast %add3A : vector<10000x1xf32> to vector<10000x64xf32>
    %sub3A_7 = arith.subf %get3A_1, %sub3A_6 : vector<10000x64xf32>
    %swap3A = arith.constant 0 : index
    %swap3A_8 = arith.constant 0 : index
    %swap3A_9 = vector.load %arg1[%swap3A, %swap3A_8] : memref<10000x64xf32, #tpu.memory_space<vmem>>, vector<10000x64xf32>
    tpu.vector_store %arg1[%swap3A, %swap3A_8], %sub3A_7 {strides = array<i32>} : memref<10000x64xf32, #tpu.memory_space<vmem>>, vector<10000x64xf32>,
    return
  }
}

</mosaic_0001>

<sc_bundles>
// kernel: kernel.11.cloned.1.call-start
scs
__scs_entry_jumppad:
0x0: {  	(pc) =	sbr.rel $0x88, $3  }
0x1: {  	(tag) =	ssettag $0x0;
	lr =	simm.s32 $0x1  }
0x2: {  	[smem:$0x3F99] =	sst lr;
	_ =	strace $0xD0000000  }
0x3: {  	_ = 	snop  }
0x4: {  	_ = 	snop  }
0x5: {  	_ = 	snop  }
0x6: {  	_ = 	snop  }
0x7: {  	_ = 	snop  }
__scs_overlays_trampoline_lowered:
0x8: {  	[smem:$0x3FA8] =	sst s0  }
0x9: {  	[smem:$0x3FA9] =	sst s1  }
0xa: {  	[smem:$0x3FAA] =	sst s2  }
0xb: {  	[smem:$0x3FAB] =	sst s3  }
0xc: {  	[smem:$0x3FAC] =	sst s4  }
0xd: {  	[smem:$0x3FAD] =	sst s5  }
0xe: {  	[smem:$0x3FAE] =	sst s6  }
0xf: {  	[smem:$0x3FAF] =	sst s7  }
0x10: {  	[smem:$0x3FB0] =	sst s8  }
0x11: {  	[smem:$0x3FB1] =	sst s9;
	s0 =	simm.s32 @!p0 $0x0  }
0x12: {  	s1 =	sld [smem:$0x3F97];
	s0 =	simm.s32 @p0 $0x1  }
0x13: {  	[smem:$0x3FB2] =	sst s0;
	s0 =	simm.s32 @!p1 $0x0  }
0x14: {  	s2 =	sld [smem:$0x3F96];
	s0 =	simm.s32 @p1 $0x1  }
0x15: {  	[smem:$0x3FB3] =	sst s0;
	s0 =	simm.s32 @!p2 $0x0  }
0x16: {  	s3 =	sld [smem:$0x3FDB];
	s0 =	simm.s32 @p2 $0x1  }
0x17: {  	s4 =	simm.s32 $0x1BF5;
	[smem:$0x3FB5] =	sst s0  }
0x18: {  	s0 =	sld [smem:$0x3F98];
	_ =	swait.ge [sflag:s4], $0x0  }
0x19: {  	s7 =	sld [smem:$0x3F99]  }
0x1a: {  	s8 =	sadd.s32 $0xFFFFE003, lr  }
0x1b: {  	s9 =	sadd.s32 $0xFFFFFEF7, lr;
	s5 =	simm.s32 $0xFFFFFFFF;
	p2 =	slt.u32 s8, $0xFFFFF086  }
0x1c: {  	p1 =	slt.u32 s9, $0xF7A;
	s5 =	simm.s32 @!p2 $0x0  }
0x1d: {  	s5 =	simm.s32 @p1 $0x1;
	p0 =	seq.s32 s7, s2  }
0x1e: {  	s7 =	smul.u32 @!p0 $0xF7A, s2;
	p2 =	seq.s32 @!p0 s5, $0x0  }
0x1f: {  	s9 =	smul.u32 $0xF7A, s1;
	s8 =	simm.s32 @!p0 $0x1BF5;
	p2 =	por !p2, p0  }
0x20: {  	[sflag:s8] =	ssyncset.s32 @!p0 $0xFFFFF086;
	s6 =	sadd.s32 @!p0 s3, s7;
	s7 =	simm.s32 @!p0 $0x108  }
0x21: {  	s3 =	sadd.s32 s3, s9;
	s6 =	sadd.s32 @!p0 $0x88, s6;
	s7 =	simm.s32 @p2 $0x1082  }
0x22: {  	[simem:s7], [sflag:s8] =	dma.local @!p0 [hbm:s6], $0xF7A  }
0x23: {  	s9 =	sor.u32 $0xD0000000, s2;
	s6 =	simm.s32 $0x108;
	_ =	swait.ge @!p0 [sflag:s8], $0x0  }
0x24: {  	s3 =	sadd.s32 $0x88, s3;
	s6 =	simm.s32 @!p1 $0x1082;
	[sflag:s4] =	ssyncset.s32 $0xFFFFF086  }
0x25: {  	[simem:s6], [sflag:s4] =	dma.local [hbm:s3], $0xF7A  }
0x26: {  	[smem:$0x3F99] =	sst s1;
	(tag) =	ssettag s2;
	_ =	strace s9  }
0x27: {  	s1 =	sld [smem:$0x3FA9]  }
0x28: {  	s2 =	sld [smem:$0x3FAA]  }
0x29: {  	s4 =	sld [smem:$0x3FAC]  }
0x2a: {  	p0 =	seq.s32 s5, $0x0;
	s5 =	sld [smem:$0x3FAD]  }
0x2b: {  	s6 =	sld [smem:$0x3FAE]  }
0x2c: {  	s7 =	sld [smem:$0x3FAF]  }
0x2d: {  	s3 =	simm.s32 $0x108;
	s8 =	sld [smem:$0x3FB0]  }
0x2e: {  	s3 =	simm.s32 @!p0 $0x1082;
	s9 =	sld [smem:$0x3FB1]  }
0x2f: {  	lr =	sadd.s32 s0, s3;
	s0 =	sld [smem:$0x3FA8]  }
0x30: {  	s3 =	sld [smem:$0x3FAB]  }
0x31: {  	[smem:$0x3FB4] =	sst s10  }
0x32: {  	s10 =	sld [smem:$0x3FB2];
	_ =	sdelay $0x3  }
0x33: {  	p0 =	seq.s32 s10, $0x1;
	s10 =	sld [smem:$0x3FB4];
	_ =	sdelay $0x3  }
0x34: {  	[smem:$0x3FB4] =	sst s10  }
0x35: {  	s10 =	sld [smem:$0x3FB3];
	_ =	sdelay $0x3  }
0x36: {  	p1 =	seq.s32 s10, $0x1;
	s10 =	sld [smem:$0x3FB4];
	_ =	sdelay $0x3  }
0x37: {  	[smem:$0x3FB4] =	sst s10  }
0x38: {  	s10 =	sld [smem:$0x3FB5]  }
0x39: {  	_ = 	snop;
	(pc) =	sbr.ind lr, $3  }
0x3a: {  	_ = 	snop  }
0x3b: {  	_ = 	snop  }
0x3c: {  	p2 =	seq.s32 s10, $0x1;
	s10 =	sld [smem:$0x3FB4]  }
0x3d: {  	_ =	shalt  }
0x3e: {  	_ =	shalt  }
0x3f: {  	_ =	shalt  }
0x40: {  	_ =	shalt  }
0x41: {  	_ =	shalt  }
0x42: {  	_ =	shalt  }
0x43: {  	_ =	shalt  }
0x44: {  	_ =	shalt  }
0x45: {  	_ =	shalt  }
0x46: {  	_ =	shalt  }
0x47: {  	_ =	shalt  }
0x48: {  	_ =	shalt  }
0x49: {  	_ =	shalt  }
0x4a: {  	_ =	shalt  }
0x4b: {  	_ =	shalt  }
0x4c: {  	_ =	shalt  }
0x4d: {  	_ =	shalt  }
0x4e: {  	_ =	shalt  }
0x4f: {  	_ =	shalt  }
0x50: {  	_ =	shalt  }
0x51: {  	_ =	shalt  }
0x52: {  	_ =	shalt  }
0x53: {  	_ =	shalt  }
0x54: {  	_ =	shalt  }
0x55: {  	_ =	shalt  }
0x56: {  	_ =	shalt  }
0x57: {  	_ =	shalt  }
0x58: {  	_ =	shalt  }
0x59: {  	_ =	shalt  }
0x5a: {  	_ =	shalt  }
0x5b: {  	_ =	shalt  }
0x5c: {  	_ =	shalt  }
0x5d: {  	_ =	shalt  }
0x5e: {  	_ =	shalt  }
0x5f: {  	_ =	shalt  }
0x60: {  	_ =	shalt  }
0x61: {  	_ =	shalt  }
0x62: {  	_ =	shalt  }
0x63: {  	_ =	shalt  }
0x64: {  	_ =	shalt  }
0x65: {  	_ =	shalt  }
0x66: {  	_ =	shalt  }
0x67: {  	_ =	shalt  }
0x68: {  	_ =	shalt  }
0x69: {  	_ =	shalt  }
0x6a: {  	_ =	shalt  }
0x6b: {  	_ =	shalt  }
0x6c: {  	_ =	shalt  }
0x6d: {  	_ =	shalt  }
0x6e: {  	_ =	shalt  }
0x6f: {  	_ =	shalt  }
0x70: {  	_ =	shalt  }
0x71: {  	_ =	shalt  }
0x72: {  	_ =	shalt  }
0x73: {  	_ =	shalt  }
0x74: {  	_ =	shalt  }
0x75: {  	_ =	shalt  }
0x76: {  	_ =	shalt  }
0x77: {  	_ =	shalt  }
0x78: {  	_ =	shalt  }
0x79: {  	_ =	shalt  }
0x7a: {  	_ =	shalt  }
0x7b: {  	_ =	shalt  }
0x7c: {  	_ =	shalt  }
0x7d: {  	_ =	shalt  }
0x7e: {  	_ =	shalt  }
0x7f: {  	_ =	shalt  }
0x80: {  	_ =	shalt  }
0x81: {  	_ =	shalt  }
0x82: {  	_ =	shalt  }
0x83: {  	_ =	shalt  }
0x84: {  	_ =	shalt  }
0x85: {  	_ =	shalt  }
0x86: {  	_ =	shalt  }
0x87: {  	_ =	shalt  }
.Lfunc_end0:
.L_simem_size_0:
called_computation.1_lowered:
.L_overlay_start_0:
0x88: {  	s2 =	sld [smem:$0x3FD9]  }
0x89: {  	s3 =	sld [smem:$0x3FFE];
	_ =	sdelay $0x1  }
0x8a: {  	s1 =	srdreg.scid  }
0x8b: {  	s0 =	sand.u32 $0x1, s1  }
0x8c: {  	s17 =	sshll.u32 s0, $0xA;
	s2 =	sadd.s32 s3, s2  }
0x8d: {  	s2 =	sadd.s32 s2, s17  }
0x8e: {  	[smem:$0x3FC0] =	sst s2  }
0x8f: {  	_ = 	snop  }
0x90: {  	s2 =	sld [smem:$0x3FD0];
	(tm) =	ssettm $0x1  }
0x91: {  	s18 =	sld [smem:$0x3FFB];
	_ =	sdelay $0x3  }
0x92: {  	_ =	strace s18  }
0x93: {  	s3 =	sld [smem:$0x3FFC];
	_ =	sdelay $0x3  }
0x94: {  	_ =	strace s3  }
0x95: {  	s3 =	sld [smem:$0x3FFD];
	_ =	sdelay $0x3  }
0x96: {  	_ =	strace s3  }
0x97: {  	_ =	strace $0x8FFFFFFF  }
0x98: {  	s19 =	sld [smem:$0x3FDB];
	_ =	sdelay $0x1  }
0x99: {  	s4 =	simm.s32 $_scs_section_size  }
0x9a: {  	s5 =	simm.s32 $_size__tile_overlayer_lowered;
	s6 =	simm.s32 $_tile_overlayer_lowered  }
0x9b: {  	s22 =	simm.s32 $0x1BFF;
	s21 =	sshll.u32 s6, $0x1;
	s3 =	sadd.s32 s4, s19  }
0x9c: {  	s7 =	simm.s32 $0x0;
	s20 =	sshll.u32 s5, $0x1;
	s5 =	sadd.s32 s21, s3  }
0x9d: {  	[timem:s7], [sflag:s22] =	dma.local [hbm:s5], s20  }
0x9e: {  	_ =	swait.ge [sflag:s22], s20  }
0x9f: {  	s4 =	ssub.s32 $0x0, s20;
	[sflag:s22] =	ssyncset.done $0x0  }
0xa0: {  	[sflag:s22] =	ssyncadd.s32 s4;
	_ =	sdelay $0x1  }
0xa1: {  	s23 =	simm.s32 $0x1B8B  }
0xa2: {  	_ =	swait.ge [sflag:s23], $0x1  }
0xa3: {  	[sflag:s23] =	ssyncset.done $0x0  }
0xa4: {  	s25 =	simm.s32 $0x1B8E;
	s24 =	sld [smem:$0x3FFE];
	[sflag:s23] =	ssyncadd.s32 $0xFFFFFFFF  }
0xa5: {  	s26 =	simm.s32 $execute0_lowered;
	[smem:$0x3FD2] =	sst s25  }
0xa6: {  	s5 =	sshll.u32 s26, $0x1;
	_ =	strace $0x80000049;
	[dreg:$0x1] =	wrdreg $0xFFFFFFFF  }
0xa7: {  	s28 =	simm.s32 $_size_execute0_lowered;
	s3 =	sadd.s32 s3, s5;
	[dreg:$0x0] =	wrdreg $0x0  }
0xa8: {  	s5 =	sshll.u32 s28, $0x1;
	[dreg:$0x2] =	wrdreg s3  }
0xa9: {  	[dreg:$0x3] =	wrdreg s5  }
0xaa: {  	[dreg:$0x4] =	wrdreg $0xC0  }
0xab: {  	_ =	task [dreg:s7], $0x5FFFF  }
0xac: {  	[dreg:$0x1] =	wrdreg $0xFFFFFFFF  }
0xad: {  	[dreg:$0x0] =	wrdreg $0x60  }
0xae: {  	[dreg:$0x2] =	wrdreg s24  }
0xaf: {  	[dreg:$0x3] =	wrdreg s2  }
0xb0: {  	[dreg:$0x4] =	wrdreg $0x90000  }
0xb1: {  	[dreg:$0x5] =	wrdreg $0x130000  }
0xb2: {  	[dreg:$0x6] =	wrdreg $0x9  }
0xb3: {  	_ =	task.clear_ibuf [dreg:s7], $0x7FFFF;
	_ =	strace $0x90000049  }
0xb4: {  	s29 =	simm.s32 $0x9;
	_ =	strace $0x8000004B  }
0xb5: {  	_ =	swait.ge [sflag:s29], $0x1  }
0xb6: {  	[sflag:s29] =	ssyncadd.s32 $0xFFFFFFFF  }
0xb7: {  	_ =	strace $0x9000004B  }
0xb8: {  	_ =	sfence  }
0xb9: {  	s30 =	sld [smem:$0x0];
	_ =	sdelay $0x2  }
0xba: {  	s31 =	sshll.u32 s1, $0xD;
	s1 =	sshrl.u32 s1, $0x2  }
0xbb: {  	s3 =	sand.u32 $0x4000, s31;
	s1 =	sadd.s32 s1, s30  }
0xbc: {  	s0 =	sor.u32 s3, s0;
	s1 =	sshll.u32 s1, $0x11  }
0xbd: {  	s0 =	sor.u32 s1, s0  }
0xbe: {  	s0 =	sadd.s32 $0x8F2B, s0  }
0xbf: {  	[sflag:s0] =	ssyncadd.remote.s32 $0x1  }
0xc0: {  	_ =	sfence.sel $0xFFFF  }
0xc1: {  	[dreg:$0x0] =	wrdreg $0xFFFFFFFF;
	(pc) =	sbr.abs _section_cstart, $3  }
0xc2: {  	[dreg:$0x1] =	wrdreg $0xFFFFFFFF  }
0xc3: {  	_ =	task.clear_ibuf [dreg:s7], $0x2FFFF;
	_ =	strace $0x9FFFFFFF  }
0xc4: {  	(tm) =	ssettm $0x7FFFFFFF  }
0xc5: {  	_ =	shalt  }
tec
execute0_lowered:
.L_overlay_start_1:
0x0: {  	(tag) =	ssettag $0x1  }
0x1: {  	s6 =	rddreg [dreg:$0x0]  }
0x2: {  	s2 =	rddreg [dreg:$0x1]  }
0x3: {  	s3 =	rddreg [dreg:$0x2];
	s0 =	srdreg.scid  }
0x4: {  	s4 =	rddreg [dreg:$0x3];
	s1 =	stileid.u32;
	s5 =	simm.s32 $0x0  }
0x5: {  	s17 =	simm.s32 $0x80;
	s18 =	simm.s32 $0x5000;
	s19 =	simm.s32 $0x7000  }
0x6: {  	s20 =	simm.s32 $0x1;
	s21 =	simm.s32 $0x2;
	s22 =	simm.s32 $0x3  }
0x7: {  	s23 =	simm.s32 $0x4;
	s24 =	simm.s32 $0x4F00;
	s25 =	simm.s32 $0x4F80  }
0x8: {  	s26 =	simm.s32 $0x6;
	s7 =	sand.u32 $0x1, s0;
	s0 =	rddreg [dreg:$0x4]  }
0x9: {  	s28 =	simm.s32 $0x0;
	s8 =	smul.u32 $0xA000, s1;
	[smem:$0x7FF] =	sst s5  }
0xa: {  	s9 =	sshll.u32 s7, $0x4;
	s10 =	smul.u32 $0xA0000, s7;
	_ =	strace $0x8000004A  }
0xb: {  	s7 =	ssub.s32 $0x2, s7;
	s9 =	sor.u32 s1, s9;
	s11 =	sshrl.u32 s8, $0x3  }
0xc: {  	s31 =	sshrl.u32 s7, $0x1;
	s15 =	sadd.s32 s8, s3;
	s16 =	sadd.s32 s8, s4  }
0xd: {  	s9 =	smul.u32 $0x500, s9;
	s11 =	sadd.s32 s11, s6;
	s10 =	sadd.s32 s8, s10  }
0xe: {  	s14 =	ssub.s32 s7, s31;
	s30 =	sshrl.u32 s10, $0x3;
	s8 =	sadd.s32 $0x24C00, s11  }
0xf: {  	s12 =	sadd.s32 s9, s6;
	s13 =	sadd.s32 s30, s6;
	s6 =	sshll.u32 s1, $0x6  }
0x10: {  	s7 =	sor.u32 $0x1C05, s6;
	s9 =	sadd.s32 $0x1AC00, s12;
	s10 =	sadd.s32 $0x1A00, s12  }
0x11: {  	s11 =	sadd.s32 $0x38C00, s13;
	s12 =	smax.u32 s14, $0x1;
	s13 =	sshrl.u32 s15, $0x3  }
0x12: {  	s14 =	sshrl.u32 s16, $0x3;
	s15 =	simm.s32 $0x2800;
	s16 =	simm.s32 $0x5  }
.LBB2_1:
0x13: {  	[spmem:s13], [sflag:s7] =	dma.local [hbm:s2], $0x1400  }
0x14: {  	[spmem:s14], [sflag:s7] =	dma.local [hbm:s8], $0x1400  }
0x15: {  	[tilespmem:s5], [sflag:$0x5] =	stream.linear.gather [hbm4b:s9+s5], $0x2800, $0x38;
	[tilespmem:$0x1D000] =	vst v63  }
0x16: {  	_ = 	snop  }
0x17: {  	[tilespmem:s15], [sflag:$0x5] =	stream.linear.gather [hbm4b:s10+s5], $0x2800, $0x38;
	[tilespmem:$0x1D000] =	vst v63  }
0x18: {  	_ =	swait.ge [sflag:s16], $0x1400  }
0x19: {  	[sflag:s16] =	ssyncset.done $0x0  }
0x1a: {  	[sflag:s16] =	ssyncadd.s32 $0xFFFFEC00  }
0x1b: {  	_ =	swait.ge [sflag:s16], $0x1400  }
0x1c: {  	[sflag:s16] =	ssyncset.done $0x0  }
0x1d: {  	[sflag:s16] =	ssyncadd.s32 $0xFFFFEC00  }
0x1e: {  	_ =	swait.ge [sflag:s16], $0x2800  }
0x1f: {  	[sflag:s16] =	ssyncset.done $0x0  }
0x20: {  	[sflag:s16] =	ssyncadd.s32 $0xFFFFD800  }
0x21: {  	_ =	swait.ge [sflag:s16], $0x2800  }
0x22: {  	[sflag:s16] =	ssyncset.done $0x0  }
0x23: {  	[sflag:s16] =	ssyncadd.s32 $0xFFFFD800  }
0x24: {  	[bflag:$0x0] =	sbarrier.arrive $0xFFFF  }
0x25: {  	[tilespmem:s18], [sflag:$0x1] =	stream.indirect.gather [spmem:s4], $0x40, s5, s17, $0xb8;
	[tilespmem:$0x1D000] =	vst v63  }
0x26: {  	_ = 	snop  }
0x27: {  	[tilespmem:s19], [sflag:$0x2] =	stream.indirect.gather [spmem:s4], $0x40, s17, s17, $0xb8;
	[tilespmem:$0x1D000] =	vst v63  }
0x28: {  	_ =	swait.ge [sflag:s20], $0x2000  }
0x29: {  	[sflag:s20] =	ssyncset.done $0x0  }
0x2a: {  	s29 =	simm.s32 $0x2800;
	[sflag:s20] =	ssyncadd.s32 $0xFFFFE000  }
0x2b: {  	[spmem:s3] =	stream.indirect.scatter.add.f32 [tilespmem:s18], [sflag:$0x3], $0x40, s29, s17, $0xb8;
	[tilespmem:$0x1D000] =	vst v63  }
0x2c: {  	_ =	swait.ge [sflag:s21], $0x2000  }
0x2d: {  	[sflag:s21] =	ssyncset.done $0x0  }
0x2e: {  	s29 =	simm.s32 $0x2880;
	[sflag:s21] =	ssyncadd.s32 $0xFFFFE000  }
0x2f: {  	[spmem:s3] =	stream.indirect.scatter.add.f32 [tilespmem:s19], [sflag:$0x4], $0x40, s29, s17, $0xb8;
	[tilespmem:$0x1D000] =	vst v63  }
0x30: {  	_ =	swait.ge [sflag:s22], $0x2000  }
0x31: {  	[sflag:s22] =	ssyncset.done $0x0  }
0x32: {  	s29 =	simm.s32 $0x100;
	[sflag:s22] =	ssyncadd.s32 $0xFFFFE000  }
0x33: {  	[tilespmem:s18], [sflag:$0x1] =	stream.indirect.gather [spmem:s4], $0x40, s29, s17, $0xb8;
	[tilespmem:$0x1D000] =	vst v63  }
0x34: {  	_ =	swait.ge [sflag:s23], $0x2000  }
0x35: {  	[sflag:s23] =	ssyncset.done $0x0  }
0x36: {  	s30 =	simm.s32 $0x180;
	s29 =	simm.s32 $0x400;
	[sflag:s23] =	ssyncadd.s32 $0xFFFFE000  }
.LBB2_2:
0x37: {  	[tilespmem:s19], [sflag:$0x2] =	stream.indirect.gather [spmem:s4], $0x40, s30, s17, $0xb8;
	[tilespmem:$0x1D000] =	vst v63  }
0x38: {  	s30 =	smov.u32 s29  }
0x39: {  	p0 =	sne.s32 s29, $0x9800;
	s29 =	sadd.s32 $0x400, s29;
	_ =	swait.ge [sflag:s20], $0x2000  }
0x3a: {  	s30 =	sshra.s32 s30, $0x2;
	[sflag:s20] =	ssyncset.done $0x0  }
0x3b: {  	s31 =	sadd.s32 $0x2800, s30;
	[sflag:s20] =	ssyncadd.s32 $0xFFFFE000  }
0x3c: {  	[spmem:s3] =	stream.indirect.scatter.add.f32 [tilespmem:s18], [sflag:$0x3], $0x40, s31, s17, $0xb8;
	[tilespmem:$0x1D000] =	vst v63  }
0x3d: {  	_ =	swait.ge [sflag:s21], $0x2000  }
0x3e: {  	[sflag:s21] =	ssyncset.done $0x0  }
0x3f: {  	s31 =	sadd.s32 $0x2880, s30;
	[sflag:s21] =	ssyncadd.s32 $0xFFFFE000  }
0x40: {  	[spmem:s3] =	stream.indirect.scatter.add.f32 [tilespmem:s19], [sflag:$0x4], $0x40, s31, s17, $0xb8;
	[tilespmem:$0x1D000] =	vst v63  }
0x41: {  	_ =	swait.ge [sflag:s22], $0x2000  }
0x42: {  	[sflag:s22] =	ssyncset.done $0x0  }
.Ltmp0:
0x43: {  	s31 =	sadd.s32 $0x100, s30;
	[sflag:s22] =	ssyncadd.s32 $0xFFFFE000;
	(pc) =	sbr.rel @p0 .LBB2_2-.Ltmp0, $4  }
0x44: {  	[tilespmem:s18], [sflag:$0x1] =	stream.indirect.gather [spmem:s4], $0x40, s31, s17, $0xb8;
	[tilespmem:$0x1D000] =	vst v63  }
0x45: {  	_ =	swait.ge [sflag:s23], $0x2000  }
0x46: {  	[sflag:s23] =	ssyncset.done $0x0  }
0x47: {  	s30 =	sadd.s32 $0x180, s30;
	[sflag:s23] =	ssyncadd.s32 $0xFFFFE000  }
0x48: {  	[tilespmem:s19], [sflag:$0x2] =	stream.indirect.gather [spmem:s4], $0x40, s30, s17, $0xb8;
	[tilespmem:$0x1D000] =	vst v63  }
0x49: {  	_ =	swait.ge [sflag:s20], $0x2000  }
0x4a: {  	[sflag:s20] =	ssyncset.done $0x0  }
0x4b: {  	[sflag:s20] =	ssyncadd.s32 $0xFFFFE000  }
0x4c: {  	[spmem:s3] =	stream.indirect.scatter.add.f32 [tilespmem:s18], [sflag:$0x3], $0x40, s24, s17, $0xb8;
	[tilespmem:$0x1D000] =	vst v63  }
0x4d: {  	_ =	swait.ge [sflag:s21], $0x2000  }
0x4e: {  	[sflag:s21] =	ssyncset.done $0x0  }
0x4f: {  	[sflag:s21] =	ssyncadd.s32 $0xFFFFE000  }
0x50: {  	[spmem:s3] =	stream.indirect.scatter.add.f32 [tilespmem:s19], [sflag:$0x4], $0x40, s25, s17, $0xb8;
	[tilespmem:$0x1D000] =	vst v63  }
0x51: {  	_ =	swait.ge [sflag:s22], $0x2000  }
0x52: {  	[sflag:s22] =	ssyncset.done $0x0  }
0x53: {  	[sflag:s22] =	ssyncadd.s32 $0xFFFFE000  }
0x54: {  	_ =	swait.ge [sflag:s23], $0x2000  }
0x55: {  	s28 =	sadd.s32 $0x1, s28;
	[sflag:s23] =	ssyncset.done $0x0  }
0x56: {  	p0 =	sne.s32 s28, s12;
	[sflag:s23] =	ssyncadd.s32 $0xFFFFE000  }
.Ltmp1:
0x57: {  	s29 =	sor.u32 $0x1C06, s6;
	[bflag:$0x0] =	sbarrier.arrive $0xFFFF;
	(pc) =	sbr.rel @p0 .LBB2_1-.Ltmp1, $4  }
0x58: {  	[hbm:s11], [sflag:s29] =	dma.local [spmem:s13], $0x1400  }
0x59: {  	_ =	swait.ge [sflag:s26], $0x1400  }
0x5a: {  	[sflag:s26] =	ssyncset.done $0x0  }
0x5b: {  	[sflag:s26] =	ssyncadd.s32 $0xFFFFEC00  }
0x5c: {  	_ =	sfence.sel $0x180000  }
0x5d: {  	[bflag:$0x0] =	sbarrier.arrive $0xFFFF  }
0x5e: {  	p0 =	sne.s32 s1, $0x0;
	_ =	strace $0x9000004A  }
0x5f: {  	s0 =	sadd.s32 @!p0 $0x100000, s0;
	[bflag:$0x2] =	sbarrier.arrive $0xFFFF  }
0x60: {  	[sflag:s0] =	ssyncadd.tile.s32 @!p0 $0x1;
	_ =	shalt  }
.Lfunc_end2:
_tile_overlayer_lowered:
.L_overlay_start_2:
0x61: {  	(tag) =	ssettag $0x2  }
0x62: {  	s0 =	rddreg [dreg:$0x0];
	s2 =	stileid.u32  }
0x63: {  	s1 =	rddreg [dreg:$0x1];
	p0 =	sne.s32 s2, $0x0  }
0x64: {  	s3 =	rddreg [dreg:$0x2];
	[bflag:$0x3] =	sbarrier.arrive $0xFFFF;
	s2 =	simm.s32 @!p0 $0x1C06  }
0x65: {  	[timem:s3], [sflag:s2] =	dma.local @!p0 [hbm:s0], s1  }
0x66: {  	s0 =	simm.s32 @!p0 $0x6  }
0x67: {  	_ =	swait.ge @!p0 [sflag:s0], s1  }
0x68: {  	s1 =	ssub.s32 @!p0 $0x0, s1;
	[sflag:s0] =	ssyncset.done @!p0 $0x0  }
0x69: {  	[sflag:s0] =	ssyncadd.s32 @!p0 s1  }
0x6a: {  	[bflag:$0x3] =	sbarrier.arrive $0xFFFF  }
0x6b: {  	_ =	shalt  }

// kernel: kernel.14.cloned.1.call-start
scs
__scs_entry_jumppad:
0x0: {  	(pc) =	sbr.rel $0x88, $3  }
0x1: {  	(tag) =	ssettag $0x0;
	lr =	simm.s32 $0x1  }
0x2: {  	[smem:$0x3F99] =	sst lr;
	_ =	strace $0xD0000000  }
0x3: {  	_ = 	snop  }
0x4: {  	_ = 	snop  }
0x5: {  	_ = 	snop  }
0x6: {  	_ = 	snop  }
0x7: {  	_ = 	snop  }
__scs_overlays_trampoline_lowered:
0x8: {  	[smem:$0x3FA8] =	sst s0  }
0x9: {  	[smem:$0x3FA9] =	sst s1  }
0xa: {  	[smem:$0x3FAA] =	sst s2  }
0xb: {  	[smem:$0x3FAB] =	sst s3  }
0xc: {  	[smem:$0x3FAC] =	sst s4  }
0xd: {  	[smem:$0x3FAD] =	sst s5  }
0xe: {  	[smem:$0x3FAE] =	sst s6  }
0xf: {  	[smem:$0x3FAF] =	sst s7  }
0x10: {  	[smem:$0x3FB0] =	sst s8  }
0x11: {  	[smem:$0x3FB1] =	sst s9;
	s0 =	simm.s32 @!p0 $0x0  }
0x12: {  	s1 =	sld [smem:$0x3F97];
	s0 =	simm.s32 @p0 $0x1  }
0x13: {  	[smem:$0x3FB2] =	sst s0;
	s0 =	simm.s32 @!p1 $0x0  }
0x14: {  	s2 =	sld [smem:$0x3F96];
	s0 =	simm.s32 @p1 $0x1  }
0x15: {  	[smem:$0x3FB3] =	sst s0;
	s0 =	simm.s32 @!p2 $0x0  }
0x16: {  	s3 =	sld [smem:$0x3FDB];
	s0 =	simm.s32 @p2 $0x1  }
0x17: {  	s4 =	simm.s32 $0x1BF5;
	[smem:$0x3FB5] =	sst s0  }
0x18: {  	s0 =	sld [smem:$0x3F98];
	_ =	swait.ge [sflag:s4], $0x0  }
0x19: {  	s7 =	sld [smem:$0x3F99]  }
0x1a: {  	s8 =	sadd.s32 $0xFFFFE003, lr  }
0x1b: {  	s9 =	sadd.s32 $0xFFFFFEF7, lr;
	s5 =	simm.s32 $0xFFFFFFFF;
	p2 =	slt.u32 s8, $0xFFFFF086  }
0x1c: {  	p1 =	slt.u32 s9, $0xF7A;
	s5 =	simm.s32 @!p2 $0x0  }
0x1d: {  	s5 =	simm.s32 @p1 $0x1;
	p0 =	seq.s32 s7, s2  }
0x1e: {  	s7 =	smul.u32 @!p0 $0xF7A, s2;
	p2 =	seq.s32 @!p0 s5, $0x0  }
0x1f: {  	s9 =	smul.u32 $0xF7A, s1;
	s8 =	simm.s32 @!p0 $0x1BF5;
	p2 =	por !p2, p0  }
0x20: {  	[sflag:s8] =	ssyncset.s32 @!p0 $0xFFFFF086;
	s6 =	sadd.s32 @!p0 s3, s7;
	s7 =	simm.s32 @!p0 $0x108  }
0x21: {  	s3 =	sadd.s32 s3, s9;
	s6 =	sadd.s32 @!p0 $0x88, s6;
	s7 =	simm.s32 @p2 $0x1082  }
0x22: {  	[simem:s7], [sflag:s8] =	dma.local @!p0 [hbm:s6], $0xF7A  }
0x23: {  	s9 =	sor.u32 $0xD0000000, s2;
	s6 =	simm.s32 $0x108;
	_ =	swait.ge @!p0 [sflag:s8], $0x0  }
0x24: {  	s3 =	sadd.s32 $0x88, s3;
	s6 =	simm.s32 @!p1 $0x1082;
	[sflag:s4] =	ssyncset.s32 $0xFFFFF086  }
0x25: {  	[simem:s6], [sflag:s4] =	dma.local [hbm:s3], $0xF7A  }
0x26: {  	[smem:$0x3F99] =	sst s1;
	(tag) =	ssettag s2;
	_ =	strace s9  }
0x27: {  	s1 =	sld [smem:$0x3FA9]  }
0x28: {  	s2 =	sld [smem:$0x3FAA]  }
0x29: {  	s4 =	sld [smem:$0x3FAC]  }
0x2a: {  	p0 =	seq.s32 s5, $0x0;
	s5 =	sld [smem:$0x3FAD]  }
0x2b: {  	s6 =	sld [smem:$0x3FAE]  }
0x2c: {  	s7 =	sld [smem:$0x3FAF]  }
0x2d: {  	s3 =	simm.s32 $0x108;
	s8 =	sld [smem:$0x3FB0]  }
0x2e: {  	s3 =	simm.s32 @!p0 $0x1082;
	s9 =	sld [smem:$0x3FB1]  }
0x2f: {  	lr =	sadd.s32 s0, s3;
	s0 =	sld [smem:$0x3FA8]  }
0x30: {  	s3 =	sld [smem:$0x3FAB]  }
0x31: {  	[smem:$0x3FB4] =	sst s10  }
0x32: {  	s10 =	sld [smem:$0x3FB2];
	_ =	sdelay $0x3  }
0x33: {  	p0 =	seq.s32 s10, $0x1;
	s10 =	sld [smem:$0x3FB4];
	_ =	sdelay $0x3  }
0x34: {  	[smem:$0x3FB4] =	sst s10  }
0x35: {  	s10 =	sld [smem:$0x3FB3];
	_ =	sdelay $0x3  }
0x36: {  	p1 =	seq.s32 s10, $0x1;
	s10 =	sld [smem:$0x3FB4];
	_ =	sdelay $0x3  }
0x37: {  	[smem:$0x3FB4] =	sst s10  }
0x38: {  	s10 =	sld [smem:$0x3FB5]  }
0x39: {  	_ = 	snop;
	(pc) =	sbr.ind lr, $3  }
0x3a: {  	_ = 	snop  }
0x3b: {  	_ = 	snop  }
0x3c: {  	p2 =	seq.s32 s10, $0x1;
	s10 =	sld [smem:$0x3FB4]  }
0x3d: {  	_ =	shalt  }
0x3e: {  	_ =	shalt  }
0x3f: {  	_ =	shalt  }
0x40: {  	_ =	shalt  }
0x41: {  	_ =	shalt  }
0x42: {  	_ =	shalt  }
0x43: {  	_ =	shalt  }
0x44: {  	_ =	shalt  }
0x45: {  	_ =	shalt  }
0x46: {  	_ =	shalt  }
0x47: {  	_ =	shalt  }
0x48: {  	_ =	shalt  }
0x49: {  	_ =	shalt  }
0x4a: {  	_ =	shalt  }
0x4b: {  	_ =	shalt  }
0x4c: {  	_ =	shalt  }
0x4d: {  	_ =	shalt  }
0x4e: {  	_ =	shalt  }
0x4f: {  	_ =	shalt  }
0x50: {  	_ =	shalt  }
0x51: {  	_ =	shalt  }
0x52: {  	_ =	shalt  }
0x53: {  	_ =	shalt  }
0x54: {  	_ =	shalt  }
0x55: {  	_ =	shalt  }
0x56: {  	_ =	shalt  }
0x57: {  	_ =	shalt  }
0x58: {  	_ =	shalt  }
0x59: {  	_ =	shalt  }
0x5a: {  	_ =	shalt  }
0x5b: {  	_ =	shalt  }
0x5c: {  	_ =	shalt  }
0x5d: {  	_ =	shalt  }
0x5e: {  	_ =	shalt  }
0x5f: {  	_ =	shalt  }
0x60: {  	_ =	shalt  }
0x61: {  	_ =	shalt  }
0x62: {  	_ =	shalt  }
0x63: {  	_ =	shalt  }
0x64: {  	_ =	shalt  }
0x65: {  	_ =	shalt  }
0x66: {  	_ =	shalt  }
0x67: {  	_ =	shalt  }
0x68: {  	_ =	shalt  }
0x69: {  	_ =	shalt  }
0x6a: {  	_ =	shalt  }
0x6b: {  	_ =	shalt  }
0x6c: {  	_ =	shalt  }
0x6d: {  	_ =	shalt  }
0x6e: {  	_ =	shalt  }
0x6f: {  	_ =	shalt  }
0x70: {  	_ =	shalt  }
0x71: {  	_ =	shalt  }
0x72: {  	_ =	shalt  }
0x73: {  	_ =	shalt  }
0x74: {  	_ =	shalt  }
0x75: {  	_ =	shalt  }
0x76: {  	_ =	shalt  }
0x77: {  	_ =	shalt  }
0x78: {  	_ =	shalt  }
0x79: {  	_ =	shalt  }
0x7a: {  	_ =	shalt  }
0x7b: {  	_ =	shalt  }
0x7c: {  	_ =	shalt  }
0x7d: {  	_ =	shalt  }
0x7e: {  	_ =	shalt  }
0x7f: {  	_ =	shalt  }
0x80: {  	_ =	shalt  }
0x81: {  	_ =	shalt  }
0x82: {  	_ =	shalt  }
0x83: {  	_ =	shalt  }
0x84: {  	_ =	shalt  }
0x85: {  	_ =	shalt  }
0x86: {  	_ =	shalt  }
0x87: {  	_ =	shalt  }
.Lfunc_end0:
.L_simem_size_0:
called_computation.2_lowered:
.L_overlay_start_0:
0x88: {  	s2 =	sld [smem:$0x3FD9]  }
0x89: {  	s3 =	sld [smem:$0x3FFE];
	_ =	sdelay $0x1  }
0x8a: {  	s1 =	srdreg.scid  }
0x8b: {  	s0 =	sand.u32 $0x1, s1  }
0x8c: {  	s17 =	sshll.u32 s0, $0xA;
	s2 =	sadd.s32 s3, s2  }
0x8d: {  	s2 =	sadd.s32 s2, s17  }
0x8e: {  	[smem:$0x3FC0] =	sst s2  }
0x8f: {  	_ = 	snop  }
0x90: {  	s2 =	sld [smem:$0x3FD0];
	(tm) =	ssettm $0x1  }
0x91: {  	s18 =	sld [smem:$0x3FFB];
	_ =	sdelay $0x3  }
0x92: {  	_ =	strace s18  }
0x93: {  	s3 =	sld [smem:$0x3FFC];
	_ =	sdelay $0x3  }
0x94: {  	_ =	strace s3  }
0x95: {  	s3 =	sld [smem:$0x3FFD];
	_ =	sdelay $0x3  }
0x96: {  	_ =	strace s3  }
0x97: {  	_ =	strace $0x8FFFFFFF  }
0x98: {  	s19 =	sld [smem:$0x3FDB];
	_ =	sdelay $0x1  }
0x99: {  	s4 =	simm.s32 $_scs_section_size  }
0x9a: {  	s5 =	simm.s32 $_size__tile_overlayer_lowered;
	s6 =	simm.s32 $_tile_overlayer_lowered  }
0x9b: {  	s22 =	simm.s32 $0x1BFF;
	s21 =	sshll.u32 s6, $0x1;
	s3 =	sadd.s32 s4, s19  }
0x9c: {  	s7 =	simm.s32 $0x0;
	s20 =	sshll.u32 s5, $0x1;
	s5 =	sadd.s32 s21, s3  }
0x9d: {  	[timem:s7], [sflag:s22] =	dma.local [hbm:s5], s20  }
0x9e: {  	_ =	swait.ge [sflag:s22], s20  }
0x9f: {  	s4 =	ssub.s32 $0x0, s20;
	[sflag:s22] =	ssyncset.done $0x0  }
0xa0: {  	[sflag:s22] =	ssyncadd.s32 s4;
	_ =	sdelay $0x1  }
0xa1: {  	s23 =	simm.s32 $0x1B8B  }
0xa2: {  	_ =	swait.ge [sflag:s23], $0x1  }
0xa3: {  	[sflag:s23] =	ssyncset.done $0x0  }
0xa4: {  	s25 =	simm.s32 $0x1B8E;
	s24 =	sld [smem:$0x3FFE];
	[sflag:s23] =	ssyncadd.s32 $0xFFFFFFFF  }
0xa5: {  	s26 =	simm.s32 $execute0_lowered;
	[smem:$0x3FD2] =	sst s25  }
0xa6: {  	s5 =	sshll.u32 s26, $0x1;
	_ =	strace $0x8000004C;
	[dreg:$0x1] =	wrdreg $0xFFFFFFFF  }
0xa7: {  	s28 =	simm.s32 $_size_execute0_lowered;
	s3 =	sadd.s32 s3, s5;
	[dreg:$0x0] =	wrdreg $0x0  }
0xa8: {  	s5 =	sshll.u32 s28, $0x1;
	[dreg:$0x2] =	wrdreg s3  }
0xa9: {  	[dreg:$0x3] =	wrdreg s5  }
0xaa: {  	[dreg:$0x4] =	wrdreg $0xC0  }
0xab: {  	_ =	task [dreg:s7], $0x5FFFF  }
0xac: {  	[dreg:$0x1] =	wrdreg $0xFFFFFFFF  }
0xad: {  	[dreg:$0x0] =	wrdreg $0x60  }
0xae: {  	[dreg:$0x2] =	wrdreg s24  }
0xaf: {  	[dreg:$0x3] =	wrdreg s2  }
0xb0: {  	[dreg:$0x4] =	wrdreg $0x90000  }
0xb1: {  	[dreg:$0x5] =	wrdreg $0x130000  }
0xb2: {  	[dreg:$0x6] =	wrdreg $0x9  }
0xb3: {  	_ =	task.clear_ibuf [dreg:s7], $0x7FFFF;
	_ =	strace $0x9000004C  }
0xb4: {  	s29 =	simm.s32 $0x9;
	_ =	strace $0x8000004E  }
0xb5: {  	_ =	swait.ge [sflag:s29], $0x1  }
0xb6: {  	[sflag:s29] =	ssyncadd.s32 $0xFFFFFFFF  }
0xb7: {  	_ =	strace $0x9000004E  }
0xb8: {  	_ =	sfence  }
0xb9: {  	s30 =	sld [smem:$0x0];
	_ =	sdelay $0x2  }
0xba: {  	s31 =	sshll.u32 s1, $0xD;
	s1 =	sshrl.u32 s1, $0x2  }
0xbb: {  	s3 =	sand.u32 $0x4000, s31;
	s1 =	sadd.s32 s1, s30  }
0xbc: {  	s0 =	sor.u32 s3, s0;
	s1 =	sshll.u32 s1, $0x11  }
0xbd: {  	s0 =	sor.u32 s1, s0  }
0xbe: {  	s0 =	sadd.s32 $0x8F2B, s0  }
0xbf: {  	[sflag:s0] =	ssyncadd.remote.s32 $0x1  }
0xc0: {  	_ =	sfence.sel $0xFFFF  }
0xc1: {  	[dreg:$0x0] =	wrdreg $0xFFFFFFFF;
	(pc) =	sbr.abs _section_cstart, $3  }
0xc2: {  	[dreg:$0x1] =	wrdreg $0xFFFFFFFF  }
0xc3: {  	_ =	task.clear_ibuf [dreg:s7], $0x2FFFF;
	_ =	strace $0x9FFFFFFF  }
0xc4: {  	(tm) =	ssettm $0x7FFFFFFF  }
0xc5: {  	_ =	shalt  }
tec
execute0_lowered:
.L_overlay_start_1:
0x0: {  	(tag) =	ssettag $0x1  }
0x1: {  	s6 =	rddreg [dreg:$0x0]  }
0x2: {  	s2 =	rddreg [dreg:$0x1]  }
0x3: {  	s3 =	rddreg [dreg:$0x2];
	s0 =	srdreg.scid  }
0x4: {  	s4 =	rddreg [dreg:$0x3];
	s1 =	stileid.u32;
	s5 =	simm.s32 $0x0  }
0x5: {  	s17 =	simm.s32 $0x80;
	s18 =	simm.s32 $0x5000;
	s19 =	simm.s32 $0x7000  }
0x6: {  	s20 =	simm.s32 $0x1;
	s21 =	simm.s32 $0x2;
	s22 =	simm.s32 $0x3  }
0x7: {  	s23 =	simm.s32 $0x4;
	s24 =	simm.s32 $0x4F00;
	s25 =	simm.s32 $0x4F80  }
0x8: {  	s26 =	simm.s32 $0x6;
	s7 =	sand.u32 $0x1, s0;
	s0 =	rddreg [dreg:$0x4]  }
0x9: {  	s28 =	simm.s32 $0x0;
	s8 =	smul.u32 $0xA000, s1;
	[smem:$0x7FF] =	sst s5  }
0xa: {  	s9 =	sshll.u32 s7, $0x4;
	s10 =	smul.u32 $0xA0000, s7;
	_ =	strace $0x8000004D  }
0xb: {  	s7 =	ssub.s32 $0x2, s7;
	s9 =	sor.u32 s1, s9;
	s11 =	sshrl.u32 s8, $0x3  }
0xc: {  	s31 =	sshrl.u32 s7, $0x1;
	s15 =	sadd.s32 s8, s3;
	s16 =	sadd.s32 s8, s4  }
0xd: {  	s9 =	smul.u32 $0x500, s9;
	s11 =	sadd.s32 s11, s6;
	s10 =	sadd.s32 s8, s10  }
0xe: {  	s14 =	ssub.s32 s7, s31;
	s30 =	sshrl.u32 s10, $0x3;
	s8 =	sadd.s32 $0x24C00, s11  }
0xf: {  	s12 =	sadd.s32 s9, s6;
	s13 =	sadd.s32 s30, s6;
	s6 =	sshll.u32 s1, $0x6  }
0x10: {  	s7 =	sor.u32 $0x1C05, s6;
	s9 =	sadd.s32 $0x1AC00, s12;
	s10 =	sadd.s32 $0x1A00, s12  }
0x11: {  	s11 =	sadd.s32 $0x38C00, s13;
	s12 =	smax.u32 s14, $0x1;
	s13 =	sshrl.u32 s15, $0x3  }
0x12: {  	s14 =	sshrl.u32 s16, $0x3;
	s15 =	simm.s32 $0x2800;
	s16 =	simm.s32 $0x5  }
.LBB2_1:
0x13: {  	[spmem:s13], [sflag:s7] =	dma.local [hbm:s2], $0x1400  }
0x14: {  	[spmem:s14], [sflag:s7] =	dma.local [hbm:s8], $0x1400  }
0x15: {  	[tilespmem:s5], [sflag:$0x5] =	stream.linear.gather [hbm4b:s9+s5], $0x2800, $0x38;
	[tilespmem:$0x1D000] =	vst v63  }
0x16: {  	_ = 	snop  }
0x17: {  	[tilespmem:s15], [sflag:$0x5] =	stream.linear.gather [hbm4b:s10+s5], $0x2800, $0x38;
	[tilespmem:$0x1D000] =	vst v63  }
0x18: {  	_ =	swait.ge [sflag:s16], $0x1400  }
0x19: {  	[sflag:s16] =	ssyncset.done $0x0  }
0x1a: {  	[sflag:s16] =	ssyncadd.s32 $0xFFFFEC00  }
0x1b: {  	_ =	swait.ge [sflag:s16], $0x1400  }
0x1c: {  	[sflag:s16] =	ssyncset.done $0x0  }
0x1d: {  	[sflag:s16] =	ssyncadd.s32 $0xFFFFEC00  }
0x1e: {  	_ =	swait.ge [sflag:s16], $0x2800  }
0x1f: {  	[sflag:s16] =	ssyncset.done $0x0  }
0x20: {  	[sflag:s16] =	ssyncadd.s32 $0xFFFFD800  }
0x21: {  	_ =	swait.ge [sflag:s16], $0x2800  }
0x22: {  	[sflag:s16] =	ssyncset.done $0x0  }
0x23: {  	[sflag:s16] =	ssyncadd.s32 $0xFFFFD800  }
0x24: {  	[bflag:$0x0] =	sbarrier.arrive $0xFFFF  }
0x25: {  	[tilespmem:s18], [sflag:$0x1] =	stream.indirect.gather [spmem:s4], $0x40, s5, s17, $0xb8;
	[tilespmem:$0x1D000] =	vst v63  }
0x26: {  	_ = 	snop  }
0x27: {  	[tilespmem:s19], [sflag:$0x2] =	stream.indirect.gather [spmem:s4], $0x40, s17, s17, $0xb8;
	[tilespmem:$0x1D000] =	vst v63  }
0x28: {  	_ =	swait.ge [sflag:s20], $0x2000  }
0x29: {  	[sflag:s20] =	ssyncset.done $0x0  }
0x2a: {  	s29 =	simm.s32 $0x2800;
	[sflag:s20] =	ssyncadd.s32 $0xFFFFE000  }
0x2b: {  	[spmem:s3] =	stream.indirect.scatter.add.f32 [tilespmem:s18], [sflag:$0x3], $0x40, s29, s17, $0xb8;
	[tilespmem:$0x1D000] =	vst v63  }
0x2c: {  	_ =	swait.ge [sflag:s21], $0x2000  }
0x2d: {  	[sflag:s21] =	ssyncset.done $0x0  }
0x2e: {  	s29 =	simm.s32 $0x2880;
	[sflag:s21] =	ssyncadd.s32 $0xFFFFE000  }
0x2f: {  	[spmem:s3] =	stream.indirect.scatter.add.f32 [tilespmem:s19], [sflag:$0x4], $0x40, s29, s17, $0xb8;
	[tilespmem:$0x1D000] =	vst v63  }
0x30: {  	_ =	swait.ge [sflag:s22], $0x2000  }
0x31: {  	[sflag:s22] =	ssyncset.done $0x0  }
0x32: {  	s29 =	simm.s32 $0x100;
	[sflag:s22] =	ssyncadd.s32 $0xFFFFE000  }
0x33: {  	[tilespmem:s18], [sflag:$0x1] =	stream.indirect.gather [spmem:s4], $0x40, s29, s17, $0xb8;
	[tilespmem:$0x1D000] =	vst v63  }
0x34: {  	_ =	swait.ge [sflag:s23], $0x2000  }
0x35: {  	[sflag:s23] =	ssyncset.done $0x0  }
0x36: {  	s30 =	simm.s32 $0x180;
	s29 =	simm.s32 $0x400;
	[sflag:s23] =	ssyncadd.s32 $0xFFFFE000  }
.LBB2_2:
0x37: {  	[tilespmem:s19], [sflag:$0x2] =	stream.indirect.gather [spmem:s4], $0x40, s30, s17, $0xb8;
	[tilespmem:$0x1D000] =	vst v63  }
0x38: {  	s30 =	smov.u32 s29  }
0x39: {  	p0 =	sne.s32 s29, $0x9800;
	s29 =	sadd.s32 $0x400, s29;
	_ =	swait.ge [sflag:s20], $0x2000  }
0x3a: {  	s30 =	sshra.s32 s30, $0x2;
	[sflag:s20] =	ssyncset.done $0x0  }
0x3b: {  	s31 =	sadd.s32 $0x2800, s30;
	[sflag:s20] =	ssyncadd.s32 $0xFFFFE000  }
0x3c: {  	[spmem:s3] =	stream.indirect.scatter.add.f32 [tilespmem:s18], [sflag:$0x3], $0x40, s31, s17, $0xb8;
	[tilespmem:$0x1D000] =	vst v63  }
0x3d: {  	_ =	swait.ge [sflag:s21], $0x2000  }
0x3e: {  	[sflag:s21] =	ssyncset.done $0x0  }
0x3f: {  	s31 =	sadd.s32 $0x2880, s30;
	[sflag:s21] =	ssyncadd.s32 $0xFFFFE000  }
0x40: {  	[spmem:s3] =	stream.indirect.scatter.add.f32 [tilespmem:s19], [sflag:$0x4], $0x40, s31, s17, $0xb8;
	[tilespmem:$0x1D000] =	vst v63  }
0x41: {  	_ =	swait.ge [sflag:s22], $0x2000  }
0x42: {  	[sflag:s22] =	ssyncset.done $0x0  }
.Ltmp0:
0x43: {  	s31 =	sadd.s32 $0x100, s30;
	[sflag:s22] =	ssyncadd.s32 $0xFFFFE000;
	(pc) =	sbr.rel @p0 .LBB2_2-.Ltmp0, $4  }
0x44: {  	[tilespmem:s18], [sflag:$0x1] =	stream.indirect.gather [spmem:s4], $0x40, s31, s17, $0xb8;
	[tilespmem:$0x1D000] =	vst v63  }
0x45: {  	_ =	swait.ge [sflag:s23], $0x2000  }
0x46: {  	[sflag:s23] =	ssyncset.done $0x0  }
0x47: {  	s30 =	sadd.s32 $0x180, s30;
	[sflag:s23] =	ssyncadd.s32 $0xFFFFE000  }
0x48: {  	[tilespmem:s19], [sflag:$0x2] =	stream.indirect.gather [spmem:s4], $0x40, s30, s17, $0xb8;
	[tilespmem:$0x1D000] =	vst v63  }
0x49: {  	_ =	swait.ge [sflag:s20], $0x2000  }
0x4a: {  	[sflag:s20] =	ssyncset.done $0x0  }
0x4b: {  	[sflag:s20] =	ssyncadd.s32 $0xFFFFE000  }
0x4c: {  	[spmem:s3] =	stream.indirect.scatter.add.f32 [tilespmem:s18], [sflag:$0x3], $0x40, s24, s17, $0xb8;
	[tilespmem:$0x1D000] =	vst v63  }
0x4d: {  	_ =	swait.ge [sflag:s21], $0x2000  }
0x4e: {  	[sflag:s21] =	ssyncset.done $0x0  }
0x4f: {  	[sflag:s21] =	ssyncadd.s32 $0xFFFFE000  }
0x50: {  	[spmem:s3] =	stream.indirect.scatter.add.f32 [tilespmem:s19], [sflag:$0x4], $0x40, s25, s17, $0xb8;
	[tilespmem:$0x1D000] =	vst v63  }
0x51: {  	_ =	swait.ge [sflag:s22], $0x2000  }
0x52: {  	[sflag:s22] =	ssyncset.done $0x0  }
0x53: {  	[sflag:s22] =	ssyncadd.s32 $0xFFFFE000  }
0x54: {  	_ =	swait.ge [sflag:s23], $0x2000  }
0x55: {  	s28 =	sadd.s32 $0x1, s28;
	[sflag:s23] =	ssyncset.done $0x0  }
0x56: {  	p0 =	sne.s32 s28, s12;
	[sflag:s23] =	ssyncadd.s32 $0xFFFFE000  }
.Ltmp1:
0x57: {  	s29 =	sor.u32 $0x1C06, s6;
	[bflag:$0x0] =	sbarrier.arrive $0xFFFF;
	(pc) =	sbr.rel @p0 .LBB2_1-.Ltmp1, $4  }
0x58: {  	[hbm:s11], [sflag:s29] =	dma.local [spmem:s13], $0x1400  }
0x59: {  	_ =	swait.ge [sflag:s26], $0x1400  }
0x5a: {  	[sflag:s26] =	ssyncset.done $0x0  }
0x5b: {  	[sflag:s26] =	ssyncadd.s32 $0xFFFFEC00  }
0x5c: {  	_ =	sfence.sel $0x180000  }
0x5d: {  	[bflag:$0x0] =	sbarrier.arrive $0xFFFF  }
0x5e: {  	p0 =	sne.s32 s1, $0x0;
	_ =	strace $0x9000004D  }
0x5f: {  	s0 =	sadd.s32 @!p0 $0x100000, s0;
	[bflag:$0x2] =	sbarrier.arrive $0xFFFF  }
0x60: {  	[sflag:s0] =	ssyncadd.tile.s32 @!p0 $0x1;
	_ =	shalt  }
.Lfunc_end2:
_tile_overlayer_lowered:
.L_overlay_start_2:
0x61: {  	(tag) =	ssettag $0x2  }
0x62: {  	s0 =	rddreg [dreg:$0x0];
	s2 =	stileid.u32  }
0x63: {  	s1 =	rddreg [dreg:$0x1];
	p0 =	sne.s32 s2, $0x0  }
0x64: {  	s3 =	rddreg [dreg:$0x2];
	[bflag:$0x3] =	sbarrier.arrive $0xFFFF;
	s2 =	simm.s32 @!p0 $0x1C06  }
0x65: {  	[timem:s3], [sflag:s2] =	dma.local @!p0 [hbm:s0], s1  }
0x66: {  	s0 =	simm.s32 @!p0 $0x6  }
0x67: {  	_ =	swait.ge @!p0 [sflag:s0], s1  }
0x68: {  	s1 =	ssub.s32 @!p0 $0x0, s1;
	[sflag:s0] =	ssyncset.done @!p0 $0x0  }
0x69: {  	[sflag:s0] =	ssyncadd.s32 @!p0 s1  }
0x6a: {  	[bflag:$0x3] =	sbarrier.arrive $0xFFFF  }
0x6b: {  	_ =	shalt  }

// kernel: kernel.8.cloned.1.call-start
scs
__scs_entry_jumppad:
0x0: {  	(pc) =	sbr.rel $0x88, $3  }
0x1: {  	(tag) =	ssettag $0x0;
	lr =	simm.s32 $0x1  }
0x2: {  	[smem:$0x3F99] =	sst lr;
	_ =	strace $0xD0000000  }
0x3: {  	_ = 	snop  }
0x4: {  	_ = 	snop  }
0x5: {  	_ = 	snop  }
0x6: {  	_ = 	snop  }
0x7: {  	_ = 	snop  }
__scs_overlays_trampoline_lowered:
0x8: {  	[smem:$0x3FA8] =	sst s0  }
0x9: {  	[smem:$0x3FA9] =	sst s1  }
0xa: {  	[smem:$0x3FAA] =	sst s2  }
0xb: {  	[smem:$0x3FAB] =	sst s3  }
0xc: {  	[smem:$0x3FAC] =	sst s4  }
0xd: {  	[smem:$0x3FAD] =	sst s5  }
0xe: {  	[smem:$0x3FAE] =	sst s6  }
0xf: {  	[smem:$0x3FAF] =	sst s7  }
0x10: {  	[smem:$0x3FB0] =	sst s8  }
0x11: {  	[smem:$0x3FB1] =	sst s9;
	s0 =	simm.s32 @!p0 $0x0  }
0x12: {  	s1 =	sld [smem:$0x3F97];
	s0 =	simm.s32 @p0 $0x1  }
0x13: {  	[smem:$0x3FB2] =	sst s0;
	s0 =	simm.s32 @!p1 $0x0  }
0x14: {  	s2 =	sld [smem:$0x3F96];
	s0 =	simm.s32 @p1 $0x1  }
0x15: {  	[smem:$0x3FB3] =	sst s0;
	s0 =	simm.s32 @!p2 $0x0  }
0x16: {  	s3 =	sld [smem:$0x3FDB];
	s0 =	simm.s32 @p2 $0x1  }
0x17: {  	s4 =	simm.s32 $0x1BF5;
	[smem:$0x3FB5] =	sst s0  }
0x18: {  	s0 =	sld [smem:$0x3F98];
	_ =	swait.ge [sflag:s4], $0x0  }
0x19: {  	s7 =	sld [smem:$0x3F99]  }
0x1a: {  	s8 =	sadd.s32 $0xFFFFE003, lr  }
0x1b: {  	s9 =	sadd.s32 $0xFFFFFEF7, lr;
	s5 =	simm.s32 $0xFFFFFFFF;
	p2 =	slt.u32 s8, $0xFFFFF086  }
0x1c: {  	p1 =	slt.u32 s9, $0xF7A;
	s5 =	simm.s32 @!p2 $0x0  }
0x1d: {  	s5 =	simm.s32 @p1 $0x1;
	p0 =	seq.s32 s7, s2  }
0x1e: {  	s7 =	smul.u32 @!p0 $0xF7A, s2;
	p2 =	seq.s32 @!p0 s5, $0x0  }
0x1f: {  	s9 =	smul.u32 $0xF7A, s1;
	s8 =	simm.s32 @!p0 $0x1BF5;
	p2 =	por !p2, p0  }
0x20: {  	[sflag:s8] =	ssyncset.s32 @!p0 $0xFFFFF086;
	s6 =	sadd.s32 @!p0 s3, s7;
	s7 =	simm.s32 @!p0 $0x108  }
0x21: {  	s3 =	sadd.s32 s3, s9;
	s6 =	sadd.s32 @!p0 $0x88, s6;
	s7 =	simm.s32 @p2 $0x1082  }
0x22: {  	[simem:s7], [sflag:s8] =	dma.local @!p0 [hbm:s6], $0xF7A  }
0x23: {  	s9 =	sor.u32 $0xD0000000, s2;
	s6 =	simm.s32 $0x108;
	_ =	swait.ge @!p0 [sflag:s8], $0x0  }
0x24: {  	s3 =	sadd.s32 $0x88, s3;
	s6 =	simm.s32 @!p1 $0x1082;
	[sflag:s4] =	ssyncset.s32 $0xFFFFF086  }
0x25: {  	[simem:s6], [sflag:s4] =	dma.local [hbm:s3], $0xF7A  }
0x26: {  	[smem:$0x3F99] =	sst s1;
	(tag) =	ssettag s2;
	_ =	strace s9  }
0x27: {  	s1 =	sld [smem:$0x3FA9]  }
0x28: {  	s2 =	sld [smem:$0x3FAA]  }
0x29: {  	s4 =	sld [smem:$0x3FAC]  }
0x2a: {  	p0 =	seq.s32 s5, $0x0;
	s5 =	sld [smem:$0x3FAD]  }
0x2b: {  	s6 =	sld [smem:$0x3FAE]  }
0x2c: {  	s7 =	sld [smem:$0x3FAF]  }
0x2d: {  	s3 =	simm.s32 $0x108;
	s8 =	sld [smem:$0x3FB0]  }
0x2e: {  	s3 =	simm.s32 @!p0 $0x1082;
	s9 =	sld [smem:$0x3FB1]  }
0x2f: {  	lr =	sadd.s32 s0, s3;
	s0 =	sld [smem:$0x3FA8]  }
0x30: {  	s3 =	sld [smem:$0x3FAB]  }
0x31: {  	[smem:$0x3FB4] =	sst s10  }
0x32: {  	s10 =	sld [smem:$0x3FB2];
	_ =	sdelay $0x3  }
0x33: {  	p0 =	seq.s32 s10, $0x1;
	s10 =	sld [smem:$0x3FB4];
	_ =	sdelay $0x3  }
0x34: {  	[smem:$0x3FB4] =	sst s10  }
0x35: {  	s10 =	sld [smem:$0x3FB3];
	_ =	sdelay $0x3  }
0x36: {  	p1 =	seq.s32 s10, $0x1;
	s10 =	sld [smem:$0x3FB4];
	_ =	sdelay $0x3  }
0x37: {  	[smem:$0x3FB4] =	sst s10  }
0x38: {  	s10 =	sld [smem:$0x3FB5]  }
0x39: {  	_ = 	snop;
	(pc) =	sbr.ind lr, $3  }
0x3a: {  	_ = 	snop  }
0x3b: {  	_ = 	snop  }
0x3c: {  	p2 =	seq.s32 s10, $0x1;
	s10 =	sld [smem:$0x3FB4]  }
0x3d: {  	_ =	shalt  }
0x3e: {  	_ =	shalt  }
0x3f: {  	_ =	shalt  }
0x40: {  	_ =	shalt  }
0x41: {  	_ =	shalt  }
0x42: {  	_ =	shalt  }
0x43: {  	_ =	shalt  }
0x44: {  	_ =	shalt  }
0x45: {  	_ =	shalt  }
0x46: {  	_ =	shalt  }
0x47: {  	_ =	shalt  }
0x48: {  	_ =	shalt  }
0x49: {  	_ =	shalt  }
0x4a: {  	_ =	shalt  }
0x4b: {  	_ =	shalt  }
0x4c: {  	_ =	shalt  }
0x4d: {  	_ =	shalt  }
0x4e: {  	_ =	shalt  }
0x4f: {  	_ =	shalt  }
0x50: {  	_ =	shalt  }
0x51: {  	_ =	shalt  }
0x52: {  	_ =	shalt  }
0x53: {  	_ =	shalt  }
0x54: {  	_ =	shalt  }
0x55: {  	_ =	shalt  }
0x56: {  	_ =	shalt  }
0x57: {  	_ =	shalt  }
0x58: {  	_ =	shalt  }
0x59: {  	_ =	shalt  }
0x5a: {  	_ =	shalt  }
0x5b: {  	_ =	shalt  }
0x5c: {  	_ =	shalt  }
0x5d: {  	_ =	shalt  }
0x5e: {  	_ =	shalt  }
0x5f: {  	_ =	shalt  }
0x60: {  	_ =	shalt  }
0x61: {  	_ =	shalt  }
0x62: {  	_ =	shalt  }
0x63: {  	_ =	shalt  }
0x64: {  	_ =	shalt  }
0x65: {  	_ =	shalt  }
0x66: {  	_ =	shalt  }
0x67: {  	_ =	shalt  }
0x68: {  	_ =	shalt  }
0x69: {  	_ =	shalt  }
0x6a: {  	_ =	shalt  }
0x6b: {  	_ =	shalt  }
0x6c: {  	_ =	shalt  }
0x6d: {  	_ =	shalt  }
0x6e: {  	_ =	shalt  }
0x6f: {  	_ =	shalt  }
0x70: {  	_ =	shalt  }
0x71: {  	_ =	shalt  }
0x72: {  	_ =	shalt  }
0x73: {  	_ =	shalt  }
0x74: {  	_ =	shalt  }
0x75: {  	_ =	shalt  }
0x76: {  	_ =	shalt  }
0x77: {  	_ =	shalt  }
0x78: {  	_ =	shalt  }
0x79: {  	_ =	shalt  }
0x7a: {  	_ =	shalt  }
0x7b: {  	_ =	shalt  }
0x7c: {  	_ =	shalt  }
0x7d: {  	_ =	shalt  }
0x7e: {  	_ =	shalt  }
0x7f: {  	_ =	shalt  }
0x80: {  	_ =	shalt  }
0x81: {  	_ =	shalt  }
0x82: {  	_ =	shalt  }
0x83: {  	_ =	shalt  }
0x84: {  	_ =	shalt  }
0x85: {  	_ =	shalt  }
0x86: {  	_ =	shalt  }
0x87: {  	_ =	shalt  }
.Lfunc_end0:
.L_simem_size_0:
called_computation_lowered:
.L_overlay_start_0:
0x88: {  	s2 =	sld [smem:$0x3FD9]  }
0x89: {  	s3 =	sld [smem:$0x3FFE];
	_ =	sdelay $0x1  }
0x8a: {  	s1 =	srdreg.scid  }
0x8b: {  	s0 =	sand.u32 $0x1, s1  }
0x8c: {  	s17 =	sshll.u32 s0, $0xA;
	s2 =	sadd.s32 s3, s2  }
0x8d: {  	s2 =	sadd.s32 s2, s17  }
0x8e: {  	[smem:$0x3FC0] =	sst s2  }
0x8f: {  	_ = 	snop  }
0x90: {  	s2 =	sld [smem:$0x3FD0];
	(tm) =	ssettm $0x1  }
0x91: {  	s18 =	sld [smem:$0x3FFB];
	_ =	sdelay $0x3  }
0x92: {  	_ =	strace s18  }
0x93: {  	s3 =	sld [smem:$0x3FFC];
	_ =	sdelay $0x3  }
0x94: {  	_ =	strace s3  }
0x95: {  	s3 =	sld [smem:$0x3FFD];
	_ =	sdelay $0x3  }
0x96: {  	_ =	strace s3  }
0x97: {  	_ =	strace $0x8FFFFFFF  }
0x98: {  	s19 =	sld [smem:$0x3FDB];
	_ =	sdelay $0x1  }
0x99: {  	s4 =	simm.s32 $_scs_section_size  }
0x9a: {  	s5 =	simm.s32 $_size__tile_overlayer_lowered;
	s6 =	simm.s32 $_tile_overlayer_lowered  }
0x9b: {  	s22 =	simm.s32 $0x1BFF;
	s21 =	sshll.u32 s6, $0x1;
	s3 =	sadd.s32 s4, s19  }
0x9c: {  	s7 =	simm.s32 $0x0;
	s20 =	sshll.u32 s5, $0x1;
	s5 =	sadd.s32 s21, s3  }
0x9d: {  	[timem:s7], [sflag:s22] =	dma.local [hbm:s5], s20  }
0x9e: {  	_ =	swait.ge [sflag:s22], s20  }
0x9f: {  	s4 =	ssub.s32 $0x0, s20;
	[sflag:s22] =	ssyncset.done $0x0  }
0xa0: {  	[sflag:s22] =	ssyncadd.s32 s4;
	_ =	sdelay $0x1  }
0xa1: {  	s23 =	simm.s32 $0x1B8B  }
0xa2: {  	_ =	swait.ge [sflag:s23], $0x1  }
0xa3: {  	[sflag:s23] =	ssyncset.done $0x0  }
0xa4: {  	s25 =	simm.s32 $0x1B8E;
	s24 =	sld [smem:$0x3FFE];
	[sflag:s23] =	ssyncadd.s32 $0xFFFFFFFF  }
0xa5: {  	s26 =	simm.s32 $execute0_lowered;
	[smem:$0x3FD2] =	sst s25  }
0xa6: {  	s5 =	sshll.u32 s26, $0x1;
	_ =	strace $0x80000046;
	[dreg:$0x1] =	wrdreg $0xFFFFFFFF  }
0xa7: {  	s28 =	simm.s32 $_size_execute0_lowered;
	s3 =	sadd.s32 s3, s5;
	[dreg:$0x0] =	wrdreg $0x0  }
0xa8: {  	s5 =	sshll.u32 s28, $0x1;
	[dreg:$0x2] =	wrdreg s3  }
0xa9: {  	[dreg:$0x3] =	wrdreg s5  }
0xaa: {  	[dreg:$0x4] =	wrdreg $0xC0  }
0xab: {  	_ =	task [dreg:s7], $0x5FFFF  }
0xac: {  	[dreg:$0x1] =	wrdreg $0xFFFFFFFF  }
0xad: {  	[dreg:$0x0] =	wrdreg $0x60  }
0xae: {  	[dreg:$0x2] =	wrdreg s2  }
0xaf: {  	[dreg:$0x3] =	wrdreg s24  }
0xb0: {  	[dreg:$0x4] =	wrdreg $0x80000  }
0xb1: {  	[dreg:$0x5] =	wrdreg $0x9  }
0xb2: {  	_ =	task.clear_ibuf [dreg:s7], $0x6FFFF;
	_ =	strace $0x90000046  }
0xb3: {  	s29 =	simm.s32 $0x9;
	_ =	strace $0x80000048  }
0xb4: {  	_ =	swait.ge [sflag:s29], $0x1  }
0xb5: {  	[sflag:s29] =	ssyncadd.s32 $0xFFFFFFFF  }
0xb6: {  	_ =	strace $0x90000048  }
0xb7: {  	_ =	sfence  }
0xb8: {  	s30 =	sld [smem:$0x0];
	_ =	sdelay $0x2  }
0xb9: {  	s31 =	sshll.u32 s1, $0xD;
	s1 =	sshrl.u32 s1, $0x2  }
0xba: {  	s3 =	sand.u32 $0x4000, s31;
	s1 =	sadd.s32 s1, s30  }
0xbb: {  	s0 =	sor.u32 s3, s0;
	s1 =	sshll.u32 s1, $0x11  }
0xbc: {  	s0 =	sor.u32 s1, s0  }
0xbd: {  	s0 =	sadd.s32 $0x8F2B, s0  }
0xbe: {  	[sflag:s0] =	ssyncadd.remote.s32 $0x1  }
0xbf: {  	_ =	sfence.sel $0xFFFF  }
0xc0: {  	[dreg:$0x0] =	wrdreg $0xFFFFFFFF;
	(pc) =	sbr.abs _section_cstart, $3  }
0xc1: {  	[dreg:$0x1] =	wrdreg $0xFFFFFFFF  }
0xc2: {  	_ =	task.clear_ibuf [dreg:s7], $0x2FFFF;
	_ =	strace $0x9FFFFFFF  }
0xc3: {  	(tm) =	ssettm $0x7FFFFFFF  }
tec
execute0_lowered:
.L_overlay_start_1:
0x0: {  	(tag) =	ssettag $0x1  }
0x1: {  	s5 =	rddreg [dreg:$0x0]  }
0x2: {  	s6 =	rddreg [dreg:$0x1]  }
0x3: {  	s2 =	rddreg [dreg:$0x2]  }
0x4: {  	s0 =	rddreg [dreg:$0x3]  }
0x5: {  	s3 =	simm.s32 $0x0;
	s1 =	stileid.u32;
	s4 =	srdreg.scid  }
0x6: {  	s15 =	simm.s32 $0x1;
	s16 =	simm.s32 $0x80;
	s17 =	simm.s32 $0x5000  }
0x7: {  	s18 =	simm.s32 $0x2;
	s20 =	simm.s32 $0x0;
	[smem:$0x7FF] =	sst s3  }
0x8: {  	s7 =	smul.u32 $0x2800, s1;
	s8 =	sand.u32 $0x1, s4;
	s4 =	sadd.s32 $0xBA00, s6  }
0x9: {  	s19 =	sshll.u32 s1, $0x6;
	_ =	strace $0x80000047;
	s9 =	sshll.u32 s8, $0x4  }
0xa: {  	s10 =	smul.u32 $0x28000, s8;
	s8 =	ssub.s32 $0x2, s8;
	s11 =	sshrl.u32 s7, $0x3  }
0xb: {  	s9 =	sor.u32 s1, s9;
	s12 =	sshrl.u32 s8, $0x1;
	s14 =	sadd.s32 s7, s2  }
0xc: {  	s9 =	smul.u32 $0x500, s9;
	s10 =	sadd.s32 s7, s10;
	s11 =	sadd.s32 s11, s6  }
0xd: {  	s12 =	ssub.s32 s8, s12;
	s8 =	sor.u32 $0x1C01, s19;
	s14 =	sshrl.u32 s14, $0x3  }
0xe: {  	s19 =	sor.u32 $0x1C02, s19;
	s10 =	sshrl.u32 s10, $0x3;
	s7 =	sadd.s32 $0xBC00, s11  }
0xf: {  	s11 =	smax.u32 s12, $0x1;
	s12 =	simm.s32 $0x7800;
	s13 =	sadd.s32 s9, s6  }
0x10: {  	s10 =	sadd.s32 s10, s6;
	s5 =	sadd.s32 s5, s9;
	s6 =	sadd.s32 $0x1A00, s13  }
0x11: {  	s9 =	sadd.s32 $0x1AC00, s13;
	s10 =	sadd.s32 $0x10C00, s10;
	s13 =	simm.s32 $0x2800  }
.LBB2_1:
0x12: {  	[tilespmem:s12], [sflag:$0x1] =	stream.linear.gather [hbm4b:s4+s3], $0x800, $0x38;
	[tilespmem:$0xA800] =	vst v63  }
0x13: {  	_ = 	snop  }
0x14: {  	[tilespmem:s3], [sflag:$0x1] =	stream.linear.gather [hbm4b:s5+s3], $0x2800, $0x38;
	[tilespmem:$0xA800] =	vst v63  }
0x15: {  	_ = 	snop  }
0x16: {  	[tilespmem:s13], [sflag:$0x1] =	stream.linear.gather [hbm4b:s6+s3], $0x2800, $0x38;
	[tilespmem:$0xA800] =	vst v63  }
0x17: {  	[spmem:s14], [sflag:s8] =	dma.local [hbm:s7], $0x500  }
0x18: {  	_ =	swait.ge [sflag:s15], $0x800  }
0x19: {  	[sflag:s15] =	ssyncset.done $0x0  }
0x1a: {  	[sflag:s15] =	ssyncadd.s32 $0xFFFFF800  }
0x1b: {  	_ =	swait.ge [sflag:s15], $0x2800  }
0x1c: {  	[sflag:s15] =	ssyncset.done $0x0  }
0x1d: {  	[sflag:s15] =	ssyncadd.s32 $0xFFFFD800  }
0x1e: {  	_ =	swait.ge [sflag:s15], $0x2800  }
0x1f: {  	[sflag:s15] =	ssyncset.done $0x0  }
0x20: {  	[sflag:s15] =	ssyncadd.s32 $0xFFFFD800  }
0x21: {  	_ =	swait.ge [sflag:s15], $0x500  }
0x22: {  	[sflag:s15] =	ssyncset.done $0x0  }
0x23: {  	[sflag:s15] =	ssyncadd.s32 $0xFFFFFB00  }
0x24: {  	s21 =	simm.s32 $0x0;
	[bflag:$0x0] =	sbarrier.arrive $0xFFFF  }
0x25: {  	v4 =	vld [tilespmem:s21+$0x2800]  }
0x26: {  	v12 =	vld [tilespmem:s21+$0x0]  }
0x27: {  	v6 =	vld [tilespmem:s21+$0x10]  }
0x28: {  	v13 =	vld [tilespmem:s21+$0x2810]  }
0x29: {  	v5 =	vld [tilespmem:s21+$0x20]  }
0x2a: {  	v11 =	vld [tilespmem:s21+$0x2820]  }
0x2b: {  	v3 =	vld [tilespmem:s21+$0x30]  }
0x2c: {  	v10 =	vld [tilespmem:s21+$0x2830]  }
0x2d: {  	v2 =	vld [tilespmem:s21+$0x40]  }
0x2e: {  	v8 =	vld [tilespmem:s21+$0x2840]  }
0x2f: {  	v1 =	vld [tilespmem:s21+$0x50]  }
0x30: {  	v7 =	vld [tilespmem:s21+$0x2850]  }
0x31: {  	v0 =	vld [tilespmem:s21+$0x60]  }
0x32: {  	v9 =	vld [tilespmem:s21+$0x2860];
	vm0 =	veq.s32 v12, v4  }
0x33: {  	s22 =	simm.s32 $0x200;
	v4 =	vld [tilespmem:s21+$0x70];
	v12 =	vsel vm0, $0x2710, v12;
	vm0 =	veq.s32 v6, v13  }
.LBB2_2:
0x34: {  	p0 =	sne.s32 s22, $0x9E00;
	[tilespmem:s21+$0x5000] =	vst v12;
	v6 =	vsel vm0, $0x2710, v6;
	vm0 =	veq.s32 v5, v11;
	v11 =	vld [tilespmem:s21+$0x2870]  }
0x35: {  	[tilespmem:s21+$0x5010] =	vst v6;
	v5 =	vsel vm0, $0x2710, v5;
	vm0 =	veq.s32 v3, v10  }
0x36: {  	[tilespmem:s21+$0x5020] =	vst v5;
	v3 =	vsel vm0, $0x2710, v3;
	vm0 =	veq.s32 v2, v8  }
0x37: {  	[tilespmem:s21+$0x5030] =	vst v3;
	v2 =	vsel vm0, $0x2710, v2;
	vm0 =	veq.s32 v1, v7  }
0x38: {  	[tilespmem:s21+$0x5040] =	vst v2;
	v1 =	vsel vm0, $0x2710, v1;
	vm0 =	veq.s32 v0, v9  }
0x39: {  	[tilespmem:s21+$0x5050] =	vst v1;
	v0 =	vsel vm0, $0x2710, v0;
	vm0 =	veq.s32 v4, v11  }
0x3a: {  	s23 =	sshra.s32 s22, $0x2;
	s24 =	sadd.s32 $0x5000, s21;
	[tilespmem:s21+$0x5060] =	vst v0;
	v0 =	vsel vm0, $0x2710, v4  }
0x3b: {  	[tilespmem:s21+$0x5070] =	vst v0;
	[spmem:s2] =	stream.indirect.scatter.add.f32 [tilespmem:s12], [sflag:$0x1], $0x10, s24, s16, $0xb8  }
0x3c: {  	s21 =	smov.u32 s23;
	v4 =	vld [tilespmem:s23+$0x2800]  }
0x3d: {  	v12 =	vld [tilespmem:s21+$0x0]  }
0x3e: {  	v6 =	vld [tilespmem:s21+$0x10]  }
0x3f: {  	v13 =	vld [tilespmem:s21+$0x2810]  }
0x40: {  	v5 =	vld [tilespmem:s21+$0x20]  }
0x41: {  	v11 =	vld [tilespmem:s21+$0x2820]  }
0x42: {  	v3 =	vld [tilespmem:s21+$0x30]  }
0x43: {  	v10 =	vld [tilespmem:s21+$0x2830]  }
0x44: {  	v2 =	vld [tilespmem:s21+$0x40]  }
0x45: {  	v8 =	vld [tilespmem:s21+$0x2840]  }
.Ltmp0:
0x46: {  	v1 =	vld [tilespmem:s21+$0x50];
	(pc) =	sbr.rel @p0 .LBB2_2-.Ltmp0, $4  }
0x47: {  	v7 =	vld [tilespmem:s21+$0x2850]  }
0x48: {  	v0 =	vld [tilespmem:s21+$0x60]  }
0x49: {  	vm0 =	veq.s32 v12, v4;
	v9 =	vld [tilespmem:s21+$0x2860]  }
0x4a: {  	s22 =	sadd.s32 $0x200, s22;
	v12 =	vsel vm0, $0x2710, v12;
	vm0 =	veq.s32 v6, v13;
	v4 =	vld [tilespmem:s21+$0x70]  }
0x4b: {  	[tilespmem:s21+$0x5000] =	vst v12;
	v6 =	vsel vm0, $0x2710, v6;
	vm10 =	veq.s32 v5, v11;
	v62 =	vld [tilespmem:s21+$0x2870]  }
0x4c: {  	vm11 =	veq.s32 v3, v10;
	[tilespmem:s21+$0x5010] =	vst v6;
	v5 =	vsel vm10, $0x2710, v5  }
0x4d: {  	vm12 =	veq.s32 v2, v8;
	v3 =	vsel vm11, $0x2710, v3;
	[tilespmem:s21+$0x5020] =	vst v5  }
0x4e: {  	v2 =	vsel vm12, $0x2710, v2;
	vm13 =	veq.s32 v1, v7;
	[tilespmem:s21+$0x5030] =	vst v3  }
0x4f: {  	[tilespmem:s21+$0x5040] =	vst v2;
	v1 =	vsel vm13, $0x2710, v1;
	vm14 =	veq.s32 v0, v9  }
0x50: {  	[tilespmem:s21+$0x5050] =	vst v1;
	v0 =	vsel vm14, $0x2710, v0;
	vm15 =	veq.s32 v4, v62  }
0x51: {  	[tilespmem:s21+$0x5060] =	vst v0;
	v63 =	vsel vm15, $0x2710, v4  }
0x52: {  	s22 =	sadd.s32 $0x5000, s21;
	[tilespmem:s21+$0x5070] =	vst v63  }
0x53: {  	[spmem:s2] =	stream.indirect.scatter.add.f32 [tilespmem:s12], [sflag:$0x1], $0x10, s22, s16, $0xb8;
	[tilespmem:$0xA800] =	vst v63  }
0x54: {  	_ =	swait.ge [sflag:s15], $0x800  }
0x55: {  	s21 =	simm.s32 $0x4F;
	[sflag:s15] =	ssyncset.done $0x0  }
.LBB2_4:
0x56: {  	p0 =	sne.s32 s21, $0x1;
	s21 =	sadd.s32 $0xFFFFFFFF, s21;
	[sflag:s15] =	ssyncadd.s32 $0xFFFFF800  }
.Ltmp1:
0x57: {  	(pc) =	sbr.rel @p0 .LBB2_4-.Ltmp1, $3  }
0x58: {  	_ =	sdelay $0x1  }
0x59: {  	_ =	swait.ge [sflag:s15], $0x800  }
0x5a: {  	[sflag:s15] =	ssyncset.done $0x0  }
0x5b: {  	[sflag:s15] =	ssyncadd.s32 $0xFFFFF800  }
0x5c: {  	[hbm4b:s9+s3] =	stream.linear.scatter [tilespmem:s17], [sflag:$0x2], $0x2800, $0x38;
	[tilespmem:$0xA800] =	vst v63  }
0x5d: {  	_ =	swait.ge [sflag:s18], $0x2800  }
0x5e: {  	s20 =	sadd.s32 $0x1, s20;
	[sflag:s18] =	ssyncset.done $0x0  }
0x5f: {  	p0 =	sne.s32 s20, s11;
	[sflag:s18] =	ssyncadd.s32 $0xFFFFD800  }
.Ltmp2:
0x60: {  	[bflag:$0x0] =	sbarrier.arrive $0xFFFF;
	(pc) =	sbr.rel @p0 .LBB2_1-.Ltmp2, $4  }
0x61: {  	[hbm:s10], [sflag:s19] =	dma.local [spmem:s14], $0x500  }
0x62: {  	_ =	swait.ge [sflag:s18], $0x500  }
0x63: {  	[sflag:s18] =	ssyncset.done $0x0  }
0x64: {  	[sflag:s18] =	ssyncadd.s32 $0xFFFFFB00  }
0x65: {  	_ =	sfence.sel $0x180000  }
0x66: {  	[bflag:$0x0] =	sbarrier.arrive $0xFFFF  }
0x67: {  	p0 =	sne.s32 s1, $0x0;
	_ =	strace $0x90000047  }
0x68: {  	s0 =	sadd.s32 @!p0 $0x100000, s0;
	[bflag:$0x2] =	sbarrier.arrive $0xFFFF  }
0x69: {  	[sflag:s0] =	ssyncadd.tile.s32 @!p0 $0x1;
	_ =	shalt  }
.Lfunc_end2:
_tile_overlayer_lowered:
.L_overlay_start_2:
0x6a: {  	(tag) =	ssettag $0x2  }
0x6b: {  	s0 =	rddreg [dreg:$0x0];
	s2 =	stileid.u32  }
0x6c: {  	s1 =	rddreg [dreg:$0x1];
	p0 =	sne.s32 s2, $0x0  }
0x6d: {  	s3 =	rddreg [dreg:$0x2];
	[bflag:$0x3] =	sbarrier.arrive $0xFFFF;
	s2 =	simm.s32 @!p0 $0x1C02  }
0x6e: {  	[timem:s3], [sflag:s2] =	dma.local @!p0 [hbm:s0], s1  }
0x6f: {  	s0 =	simm.s32 @!p0 $0x2  }
0x70: {  	_ =	swait.ge @!p0 [sflag:s0], s1  }
0x71: {  	s1 =	ssub.s32 @!p0 $0x0, s1;
	[sflag:s0] =	ssyncset.done @!p0 $0x0  }
0x72: {  	[sflag:s0] =	ssyncadd.s32 @!p0 s1  }
0x73: {  	[bflag:$0x3] =	sbarrier.arrive $0xFFFF  }
0x74: {  	_ =	shalt  }

</sc_bundles>
